<compile_context>
chip_gen: v7x
topology: tpu7x:2x2x1
jax: 0.10.2.dev20260603
libtpu: 0.0.44.dev20260713+nightly
codegen_flags: <defaults>
</compile_context>

<pallas_src>
import jax
import jax.numpy as jnp
from jax import lax
from jax.experimental import pallas as pl
from jax.experimental.pallas import tpu as pltpu
from jax.experimental.pallas import tpu_sc as plsc

B = 16384
F = 26
V = 100000
D = 16
R = B * F
NC = 2
NS = 16
NW = NC * NS
BPW = B // NW
RPW = R // NW
NCH = 8
CR = RPW // NCH

EPS = 1e-5
INV = (1.0 + EPS) ** -0.5

H1 = 512
H2 = 256
OUT = 2
EMBW = F * D
N_CONTS = 13
BT = 2048


def _gather_body(idx_hbm, tab_hbm, out_hbm, i0, i1, r0, r1, gs0, gs1, ws0, ws1):
    wid = lax.axis_index("s") * NC + lax.axis_index("c")
    f0 = wid * RPW
    idx_v = [i0, i1]
    rows_v = [r0, r1]
    gsem = [gs0, gs1]
    wsem = [ws0, ws1]
    gd = [None, None]
    wd = [None, None]

    def fire(c):
        b = c & 1
        pltpu.sync_copy(idx_hbm.at[pl.ds(f0 + c * CR, CR)], idx_v[b])
        gd[b] = pltpu.async_copy(tab_hbm.at[idx_v[b]], rows_v[b], gsem[b])

    fire(0)
    for c in range(NCH):
        b = c & 1
        nb = (c + 1) & 1
        if c + 1 < NCH:
            if wd[nb] is not None:
                wd[nb].wait()
            fire(c + 1)
        gd[b].wait()
        wd[b] = pltpu.make_async_copy(rows_v[b],
                                      out_hbm.at[pl.ds(f0 + c * CR, CR)],
                                      wsem[b])
        wd[b].start()
    wd[0].wait()
    wd[1].wait()


def _sc_gather(flat_idx, tab_flat):
    return pl.kernel(
        _gather_body,
        out_type=jax.ShapeDtypeStruct((R, D), jnp.float32),
        scratch_types=[
            pltpu.VMEM((CR,), jnp.int32),
            pltpu.VMEM((CR,), jnp.int32),
            pltpu.VMEM((CR, D), jnp.float32),
            pltpu.VMEM((CR, D), jnp.float32),
            pltpu.SemaphoreType.DMA,
            pltpu.SemaphoreType.DMA,
            pltpu.SemaphoreType.DMA,
            pltpu.SemaphoreType.DMA,
        ],
        mesh=plsc.VectorSubcoreMesh(core_axis_name="c", subcore_axis_name="s"),
        compiler_params=pltpu.CompilerParams(use_tc_tiling_on_sc=False),
    )(flat_idx, tab_flat)


def _mlp_body(x_ref, xc_ref, cg_ref, cb_ref, w1a_ref, w1b_ref, b1_ref,
              g1_ref, be1_ref, w2_ref, b2_ref, g2_ref, be2_ref,
              w3_ref, b3_ref, out_ref):
    xc = cg_ref[...] * (xc_ref[...] * INV) + cb_ref[...]
    z = jnp.dot(x_ref[...], w1a_ref[...], preferred_element_type=jnp.float32)
    z = z + jnp.dot(xc, w1b_ref[...], preferred_element_type=jnp.float32)
    z = z + b1_ref[...]
    h = jnp.maximum(z, 0.0)
    h = g1_ref[...] * (h * INV) + be1_ref[...]
    z = jnp.dot(h, w2_ref[...], preferred_element_type=jnp.float32) + b2_ref[...]
    h = jnp.maximum(z, 0.0)
    h = g2_ref[...] * (h * INV) + be2_ref[...]
    out_ref[...] = jnp.dot(h, w3_ref[...], preferred_element_type=jnp.float32) + b3_ref[...]


def _mlp(x, x_conts, cg, cb, W1a, W1b, b1, g1, be1, W2, b2, g2, be2, W3, b3):
    grid = (B // BT,)
    row = lambda i: (i, 0)
    rep = lambda i: (0, 0)
    return pl.pallas_call(
        _mlp_body,
        grid=grid,
        in_specs=[
            pl.BlockSpec((BT, EMBW), row),
            pl.BlockSpec((BT, N_CONTS), row),
            pl.BlockSpec((1, N_CONTS), rep),
            pl.BlockSpec((1, N_CONTS), rep),
            pl.BlockSpec((EMBW, H1), rep),
            pl.BlockSpec((N_CONTS, H1), rep),
            pl.BlockSpec((1, H1), rep),
            pl.BlockSpec((1, H1), rep),
            pl.BlockSpec((1, H1), rep),
            pl.BlockSpec((H1, H2), rep),
            pl.BlockSpec((1, H2), rep),
            pl.BlockSpec((1, H2), rep),
            pl.BlockSpec((1, H2), rep),
            pl.BlockSpec((H2, OUT), rep),
            pl.BlockSpec((1, OUT), rep),
        ],
        out_specs=pl.BlockSpec((BT, OUT), row),
        out_shape=jax.ShapeDtypeStruct((B, OUT), jnp.float32),
    )(x, x_conts, cg, cb, W1a, W1b, b1, g1, be1, W2, b2, g2, be2, W3, b3)


def kernel(x_cats, x_conts, tables, bn_cont_g, bn_cont_b,
           W1, b1, g1, be1, W2, b2, g2, be2, W3, b3):
    xi = x_cats.astype(jnp.int32)
    offs = (jnp.arange(F, dtype=jnp.int32) * V)[None, :]
    flat_idx = (xi + offs).reshape(R)
    tab_flat = tables.reshape(F * V, D)
    x = _sc_gather(flat_idx, tab_flat).reshape(B, EMBW)
    W1a = W1[:EMBW]
    W1b = W1[EMBW:]
    return _mlp(x, x_conts, bn_cont_g[None, :], bn_cont_b[None, :],
                W1a, W1b, b1[None, :], g1[None, :], be1[None, :],
                W2, b2[None, :], g2[None, :], be2[None, :],
                W3, b3[None, :])

# --- scband reference (transcript-rebuilt; emitter-appended) ---
"""Pipeline reference for scband-tabular-model-25271587569818 (READ-ONLY COPY).

The authoritative reference and input builder live on the scoring server;
editing this copy changes nothing except your own understanding.
"""

import jax, jax.numpy as jnp
import numpy as np

B = 16384
N_FIELDS = 26
VOCAB = 100000
EMB_DIM = 16
N_CONTS = 13
H1 = 512
H2 = 256
OUT = 2
EPS = 1e-5


def setup_inputs(seed: int = 0) -> dict:
    key = jax.random.key(seed)
    ks = jax.random.split(key, 16)
    x_cats = jax.random.randint(ks[0], (B, N_FIELDS), 0, VOCAB, dtype=jnp.int32).astype(jnp.int64)
    x_conts = jax.random.normal(ks[1], (B, N_CONTS), dtype=jnp.float32)
    tables = jax.random.normal(ks[2], (N_FIELDS, VOCAB, EMB_DIM), dtype=jnp.float32) * 0.05
    bn_cont_g = jnp.ones((N_CONTS,), dtype=jnp.float32)
    bn_cont_b = jnp.zeros((N_CONTS,), dtype=jnp.float32)
    n_in = N_FIELDS * EMB_DIM + N_CONTS
    W1 = jax.random.normal(ks[3], (n_in, H1), dtype=jnp.float32) * 0.02
    b1 = jnp.zeros((H1,), dtype=jnp.float32)
    g1 = jnp.ones((H1,), dtype=jnp.float32)
    be1 = jnp.zeros((H1,), dtype=jnp.float32)
    W2 = jax.random.normal(ks[4], (H1, H2), dtype=jnp.float32) * 0.02
    b2 = jnp.zeros((H2,), dtype=jnp.float32)
    g2 = jnp.ones((H2,), dtype=jnp.float32)
    be2 = jnp.zeros((H2,), dtype=jnp.float32)
    W3 = jax.random.normal(ks[5], (H2, OUT), dtype=jnp.float32) * 0.02
    b3 = jnp.zeros((OUT,), dtype=jnp.float32)
    return {"x_cats": x_cats, "x_conts": x_conts, "tables": tables,
            "bn_cont_g": bn_cont_g, "bn_cont_b": bn_cont_b,
            "W1": W1, "b1": b1, "g1": g1, "be1": be1,
            "W2": W2, "b2": b2, "g2": g2, "be2": be2,
            "W3": W3, "b3": b3}


def reference(x_cats, x_conts, tables, bn_cont_g, bn_cont_b,
              W1, b1, g1, be1, W2, b2, g2, be2, W3, b3):
    # Embedding lookups per categorical field (eval mode: dropout = identity,
    # batchnorm uses running stats mean=0, var=1)
    emb = jax.vmap(lambda t, idx: jnp.take(t, idx, axis=0), in_axes=(0, 1), out_axes=1)(
        tables, x_cats.astype(jnp.int32))  # [B, N_FIELDS, EMB_DIM]
    x = emb.reshape(emb.shape[0], -1)  # [B, N_FIELDS*EMB_DIM]
    xc = bn_cont_g * (x_conts / jnp.sqrt(1.0 + EPS)) + bn_cont_b
    h = jnp.concatenate([x, xc], axis=1)
    h = jnp.maximum(h @ W1 + b1, 0.0)
    h = g1 * (h / jnp.sqrt(1.0 + EPS)) + be1
    h = jnp.maximum(h @ W2 + b2, 0.0)
    h = g2 * (h / jnp.sqrt(1.0 + EPS)) + be2
    out = h @ W3 + b3
    return out

if __name__ == "__main__":
    import jax
    _d = setup_inputs()
    print(jax.jit(kernel)(*tuple(_d.values())))

</pallas_src>

<mosaic_0001>
#map = affine_map<(d0, d1) -> (0)>
#map1 = affine_map<(d0, d1) -> (0, 0)>
module attributes {stable_mosaic.version = 14 : i64} {
  func.func @_gather_body(%arg0: i32, %arg1: i32, %arg2: memref<425984xi32, #tpu.memory_space<hbm>>, %arg3: memref<2600000x16xf32, #tpu.memory_space<hbm>>, %arg4: memref<425984x16xf32, #tpu.memory_space<hbm>>, %arg5: memref<1664xi32, #tpu.memory_space<vmem>>, %arg6: memref<1664xi32, #tpu.memory_space<vmem>>, %arg7: memref<1664x16xf32, #tpu.memory_space<vmem>>, %arg8: memref<1664x16xf32, #tpu.memory_space<vmem>>, %arg9: memref<!tpu.dma_semaphore, #tpu.memory_space<semaphore_mem>>, %arg10: memref<!tpu.dma_semaphore, #tpu.memory_space<semaphore_mem>>, %arg11: memref<!tpu.dma_semaphore, #tpu.memory_space<semaphore_mem>>, %arg12: memref<!tpu.dma_semaphore, #tpu.memory_space<semaphore_mem>>) attributes {dimension_semantics = [#tpu.dimension_semantics<core_parallel>, #tpu.dimension_semantics<subcore_parallel>], iteration_bounds = array<i64: 2, 16>, scalar_prefetch = 0 : i64, scratch_operands = 8 : i64, tpu.core_type = #tpu.core_type<sc_vector_subcore>, window_params = [{transform_indices = #map}, {transform_indices = #map1}, {transform_indices = #map1}]} {
    %mul3A = arith.constant 2 : i32
    %mul3A_0 = arith.muli %arg1, %mul3A : i32
    %add3A = arith.addi %mul3A_0, %arg0 : i32
    %mul3A_1 = arith.constant 13312 : i32
    %mul3A_2 = arith.muli %add3A, %mul3A_1 : i32
    %add3A_3 = arith.constant 0 : i32
    %add3A_4 = arith.addi %mul3A_2, %add3A_3 : i32
    "tpu.region"() ({
      %run_scoped3A = tpu.sem_alloc : memref<!tpu.dma_semaphore, #tpu.memory_space<semaphore_mem>>
      %dma_start3A_145 = tpu.memref_slice %arg2[%add3A_4] : memref<425984xi32, #tpu.memory_space<hbm>> -> memref<1664xi32, #tpu.memory_space<hbm>>
      %dma_start3A_146 = tpu.memref_slice %arg2[%add3A_4] : memref<425984xi32, #tpu.memory_space<hbm>> -> memref<1664xi32, #tpu.memory_space<hbm>>
      tpu.enqueue_dma source(%dma_start3A_146 : memref<1664xi32, #tpu.memory_space<hbm>>) target(%arg5 : memref<1664xi32, #tpu.memory_space<vmem>>) target_semaphore(%run_scoped3A : memref<!tpu.dma_semaphore, #tpu.memory_space<semaphore_mem>>)
      %dma_wait3A_147 = tpu.memref_slice %arg2[%add3A_4] : memref<425984xi32, #tpu.memory_space<hbm>> -> memref<1664xi32, #tpu.memory_space<hbm>>
      %dma_wait3A_148 = tpu.memref_slice %arg2[%add3A_4] : memref<425984xi32, #tpu.memory_space<hbm>> -> memref<1664xi32, #tpu.memory_space<hbm>>
      tpu.wait_dma2 semaphore(%run_scoped3A : memref<!tpu.dma_semaphore, #tpu.memory_space<semaphore_mem>>) src(%dma_wait3A_148 : memref<1664xi32, #tpu.memory_space<hbm>>) dst(%arg5 : memref<1664xi32, #tpu.memory_space<vmem>>)
      tpu.yield
    }) : () -> ()
    %dma_start3A = arith.constant 0 : i32
    %dma_start3A_5 = arith.constant 0 : i32
    %dma_start3A_6 = tpu.memref_slice %arg3[%dma_start3A, %dma_start3A_5] : memref<2600000x16xf32, #tpu.memory_space<hbm>> -> memref<2600000x16xf32, #tpu.memory_space<hbm>>
    tpu.enqueue_indirect_dma source(%dma_start3A_6 : memref<2600000x16xf32, #tpu.memory_space<hbm>>) target(%arg7 : memref<1664x16xf32, #tpu.memory_space<vmem>>) offsets(%arg5 : memref<1664xi32, #tpu.memory_space<vmem>>) semaphore(%arg9 : memref<!tpu.dma_semaphore, #tpu.memory_space<semaphore_mem>>)
    %add3A_7 = arith.constant 1664 : i32
    %add3A_8 = arith.addi %mul3A_2, %add3A_7 : i32
    "tpu.region"() ({
      %run_scoped3A = tpu.sem_alloc : memref<!tpu.dma_semaphore, #tpu.memory_space<semaphore_mem>>
      %dma_start3A_145 = tpu.memref_slice %arg2[%add3A_8] : memref<425984xi32, #tpu.memory_space<hbm>> -> memref<1664xi32, #tpu.memory_space<hbm>>
      %dma_start3A_146 = tpu.memref_slice %arg2[%add3A_8] : memref<425984xi32, #tpu.memory_space<hbm>> -> memref<1664xi32, #tpu.memory_space<hbm>>
      tpu.enqueue_dma source(%dma_start3A_146 : memref<1664xi32, #tpu.memory_space<hbm>>) target(%arg6 : memref<1664xi32, #tpu.memory_space<vmem>>) target_semaphore(%run_scoped3A : memref<!tpu.dma_semaphore, #tpu.memory_space<semaphore_mem>>)
      %dma_wait3A_147 = tpu.memref_slice %arg2[%add3A_8] : memref<425984xi32, #tpu.memory_space<hbm>> -> memref<1664xi32, #tpu.memory_space<hbm>>
      %dma_wait3A_148 = tpu.memref_slice %arg2[%add3A_8] : memref<425984xi32, #tpu.memory_space<hbm>> -> memref<1664xi32, #tpu.memory_space<hbm>>
      tpu.wait_dma2 semaphore(%run_scoped3A : memref<!tpu.dma_semaphore, #tpu.memory_space<semaphore_mem>>) src(%dma_wait3A_148 : memref<1664xi32, #tpu.memory_space<hbm>>) dst(%arg6 : memref<1664xi32, #tpu.memory_space<vmem>>)
      tpu.yield
    }) : () -> ()
    %dma_start3A_9 = arith.constant 0 : i32
    %dma_start3A_10 = arith.constant 0 : i32
    %dma_start3A_11 = tpu.memref_slice %arg3[%dma_start3A_9, %dma_start3A_10] : memref<2600000x16xf32, #tpu.memory_space<hbm>> -> memref<2600000x16xf32, #tpu.memory_space<hbm>>
    tpu.enqueue_indirect_dma source(%dma_start3A_11 : memref<2600000x16xf32, #tpu.memory_space<hbm>>) target(%arg8 : memref<1664x16xf32, #tpu.memory_space<vmem>>) offsets(%arg6 : memref<1664xi32, #tpu.memory_space<vmem>>) semaphore(%arg10 : memref<!tpu.dma_semaphore, #tpu.memory_space<semaphore_mem>>)
    %dma_wait3A = arith.constant 0 : i32
    %dma_wait3A_12 = arith.constant 0 : i32
    %dma_wait3A_13 = tpu.memref_slice %arg3[%dma_wait3A, %dma_wait3A_12] : memref<2600000x16xf32, #tpu.memory_space<hbm>> -> memref<2600000x16xf32, #tpu.memory_space<hbm>>
    tpu.wait_indirect_dma semaphore(%arg9 : memref<!tpu.dma_semaphore, #tpu.memory_space<semaphore_mem>>) src(%dma_wait3A_13 : memref<2600000x16xf32, #tpu.memory_space<hbm>>) dst(%arg7 : memref<1664x16xf32, #tpu.memory_space<vmem>>)
    %add3A_14 = arith.constant 0 : i32
    %add3A_15 = arith.addi %mul3A_2, %add3A_14 : i32
    %dma_start3A_16 = arith.constant 0 : i32
    %dma_start3A_17 = tpu.memref_slice %arg4[%add3A_15, %dma_start3A_16] : memref<425984x16xf32, #tpu.memory_space<hbm>> -> memref<1664x16xf32, #tpu.memory_space<hbm>>
    %dma_start3A_18 = arith.constant 0 : i32
    %dma_start3A_19 = tpu.memref_slice %arg4[%add3A_15, %dma_start3A_18] : memref<425984x16xf32, #tpu.memory_space<hbm>> -> memref<1664x16xf32, #tpu.memory_space<hbm>>
    tpu.enqueue_dma source(%arg7 : memref<1664x16xf32, #tpu.memory_space<vmem>>) target(%dma_start3A_19 : memref<1664x16xf32, #tpu.memory_space<hbm>>) target_semaphore(%arg11 : memref<!tpu.dma_semaphore, #tpu.memory_space<semaphore_mem>>)
    %dma_wait3A_20 = arith.constant 0 : i32
    %dma_wait3A_21 = tpu.memref_slice %arg4[%add3A_15, %dma_wait3A_20] : memref<425984x16xf32, #tpu.memory_space<hbm>> -> memref<1664x16xf32, #tpu.memory_space<hbm>>
    %dma_wait3A_22 = arith.constant 0 : i32
    %dma_wait3A_23 = tpu.memref_slice %arg4[%add3A_15, %dma_wait3A_22] : memref<425984x16xf32, #tpu.memory_space<hbm>> -> memref<1664x16xf32, #tpu.memory_space<hbm>>
    tpu.wait_dma2 semaphore(%arg11 : memref<!tpu.dma_semaphore, #tpu.memory_space<semaphore_mem>>) src(%arg7 : memref<1664x16xf32, #tpu.memory_space<vmem>>) dst(%dma_wait3A_23 : memref<1664x16xf32, #tpu.memory_space<hbm>>)
    %add3A_24 = arith.constant 3328 : i32
    %add3A_25 = arith.addi %mul3A_2, %add3A_24 : i32
    "tpu.region"() ({
      %run_scoped3A = tpu.sem_alloc : memref<!tpu.dma_semaphore, #tpu.memory_space<semaphore_mem>>
      %dma_start3A_145 = tpu.memref_slice %arg2[%add3A_25] : memref<425984xi32, #tpu.memory_space<hbm>> -> memref<1664xi32, #tpu.memory_space<hbm>>
      %dma_start3A_146 = tpu.memref_slice %arg2[%add3A_25] : memref<425984xi32, #tpu.memory_space<hbm>> -> memref<1664xi32, #tpu.memory_space<hbm>>
      tpu.enqueue_dma source(%dma_start3A_146 : memref<1664xi32, #tpu.memory_space<hbm>>) target(%arg5 : memref<1664xi32, #tpu.memory_space<vmem>>) target_semaphore(%run_scoped3A : memref<!tpu.dma_semaphore, #tpu.memory_space<semaphore_mem>>)
      %dma_wait3A_147 = tpu.memref_slice %arg2[%add3A_25] : memref<425984xi32, #tpu.memory_space<hbm>> -> memref<1664xi32, #tpu.memory_space<hbm>>
      %dma_wait3A_148 = tpu.memref_slice %arg2[%add3A_25] : memref<425984xi32, #tpu.memory_space<hbm>> -> memref<1664xi32, #tpu.memory_space<hbm>>
      tpu.wait_dma2 semaphore(%run_scoped3A : memref<!tpu.dma_semaphore, #tpu.memory_space<semaphore_mem>>) src(%dma_wait3A_148 : memref<1664xi32, #tpu.memory_space<hbm>>) dst(%arg5 : memref<1664xi32, #tpu.memory_space<vmem>>)
      tpu.yield
    }) : () -> ()
    %dma_start3A_26 = arith.constant 0 : i32
    %dma_start3A_27 = arith.constant 0 : i32
    %dma_start3A_28 = tpu.memref_slice %arg3[%dma_start3A_26, %dma_start3A_27] : memref<2600000x16xf32, #tpu.memory_space<hbm>> -> memref<2600000x16xf32, #tpu.memory_space<hbm>>
    tpu.enqueue_indirect_dma source(%dma_start3A_28 : memref<2600000x16xf32, #tpu.memory_space<hbm>>) target(%arg7 : memref<1664x16xf32, #tpu.memory_space<vmem>>) offsets(%arg5 : memref<1664xi32, #tpu.memory_space<vmem>>) semaphore(%arg9 : memref<!tpu.dma_semaphore, #tpu.memory_space<semaphore_mem>>)
    %dma_wait3A_29 = arith.constant 0 : i32
    %dma_wait3A_30 = arith.constant 0 : i32
    %dma_wait3A_31 = tpu.memref_slice %arg3[%dma_wait3A_29, %dma_wait3A_30] : memref<2600000x16xf32, #tpu.memory_space<hbm>> -> memref<2600000x16xf32, #tpu.memory_space<hbm>>
    tpu.wait_indirect_dma semaphore(%arg10 : memref<!tpu.dma_semaphore, #tpu.memory_space<semaphore_mem>>) src(%dma_wait3A_31 : memref<2600000x16xf32, #tpu.memory_space<hbm>>) dst(%arg8 : memref<1664x16xf32, #tpu.memory_space<vmem>>)
    %add3A_32 = arith.constant 1664 : i32
    %add3A_33 = arith.addi %mul3A_2, %add3A_32 : i32
    %dma_start3A_34 = arith.constant 0 : i32
    %dma_start3A_35 = tpu.memref_slice %arg4[%add3A_33, %dma_start3A_34] : memref<425984x16xf32, #tpu.memory_space<hbm>> -> memref<1664x16xf32, #tpu.memory_space<hbm>>
    %dma_start3A_36 = arith.constant 0 : i32
    %dma_start3A_37 = tpu.memref_slice %arg4[%add3A_33, %dma_start3A_36] : memref<425984x16xf32, #tpu.memory_space<hbm>> -> memref<1664x16xf32, #tpu.memory_space<hbm>>
    tpu.enqueue_dma source(%arg8 : memref<1664x16xf32, #tpu.memory_space<vmem>>) target(%dma_start3A_37 : memref<1664x16xf32, #tpu.memory_space<hbm>>) target_semaphore(%arg12 : memref<!tpu.dma_semaphore, #tpu.memory_space<semaphore_mem>>)
    %dma_wait3A_38 = arith.constant 0 : i32
    %dma_wait3A_39 = tpu.memref_slice %arg4[%add3A_33, %dma_wait3A_38] : memref<425984x16xf32, #tpu.memory_space<hbm>> -> memref<1664x16xf32, #tpu.memory_space<hbm>>
    %dma_wait3A_40 = arith.constant 0 : i32
    %dma_wait3A_41 = tpu.memref_slice %arg4[%add3A_33, %dma_wait3A_40] : memref<425984x16xf32, #tpu.memory_space<hbm>> -> memref<1664x16xf32, #tpu.memory_space<hbm>>
    tpu.wait_dma2 semaphore(%arg12 : memref<!tpu.dma_semaphore, #tpu.memory_space<semaphore_mem>>) src(%arg8 : memref<1664x16xf32, #tpu.memory_space<vmem>>) dst(%dma_wait3A_41 : memref<1664x16xf32, #tpu.memory_space<hbm>>)
    %add3A_42 = arith.constant 4992 : i32
    %add3A_43 = arith.addi %mul3A_2, %add3A_42 : i32
    "tpu.region"() ({
      %run_scoped3A = tpu.sem_alloc : memref<!tpu.dma_semaphore, #tpu.memory_space<semaphore_mem>>
      %dma_start3A_145 = tpu.memref_slice %arg2[%add3A_43] : memref<425984xi32, #tpu.memory_space<hbm>> -> memref<1664xi32, #tpu.memory_space<hbm>>
      %dma_start3A_146 = tpu.memref_slice %arg2[%add3A_43] : memref<425984xi32, #tpu.memory_space<hbm>> -> memref<1664xi32, #tpu.memory_space<hbm>>
      tpu.enqueue_dma source(%dma_start3A_146 : memref<1664xi32, #tpu.memory_space<hbm>>) target(%arg6 : memref<1664xi32, #tpu.memory_space<vmem>>) target_semaphore(%run_scoped3A : memref<!tpu.dma_semaphore, #tpu.memory_space<semaphore_mem>>)
      %dma_wait3A_147 = tpu.memref_slice %arg2[%add3A_43] : memref<425984xi32, #tpu.memory_space<hbm>> -> memref<1664xi32, #tpu.memory_space<hbm>>
      %dma_wait3A_148 = tpu.memref_slice %arg2[%add3A_43] : memref<425984xi32, #tpu.memory_space<hbm>> -> memref<1664xi32, #tpu.memory_space<hbm>>
      tpu.wait_dma2 semaphore(%run_scoped3A : memref<!tpu.dma_semaphore, #tpu.memory_space<semaphore_mem>>) src(%dma_wait3A_148 : memref<1664xi32, #tpu.memory_space<hbm>>) dst(%arg6 : memref<1664xi32, #tpu.memory_space<vmem>>)
      tpu.yield
    }) : () -> ()
    %dma_start3A_44 = arith.constant 0 : i32
    %dma_start3A_45 = arith.constant 0 : i32
    %dma_start3A_46 = tpu.memref_slice %arg3[%dma_start3A_44, %dma_start3A_45] : memref<2600000x16xf32, #tpu.memory_space<hbm>> -> memref<2600000x16xf32, #tpu.memory_space<hbm>>
    tpu.enqueue_indirect_dma source(%dma_start3A_46 : memref<2600000x16xf32, #tpu.memory_space<hbm>>) target(%arg8 : memref<1664x16xf32, #tpu.memory_space<vmem>>) offsets(%arg6 : memref<1664xi32, #tpu.memory_space<vmem>>) semaphore(%arg10 : memref<!tpu.dma_semaphore, #tpu.memory_space<semaphore_mem>>)
    %dma_wait3A_47 = arith.constant 0 : i32
    %dma_wait3A_48 = arith.constant 0 : i32
    %dma_wait3A_49 = tpu.memref_slice %arg3[%dma_wait3A_47, %dma_wait3A_48] : memref<2600000x16xf32, #tpu.memory_space<hbm>> -> memref<2600000x16xf32, #tpu.memory_space<hbm>>
    tpu.wait_indirect_dma semaphore(%arg9 : memref<!tpu.dma_semaphore, #tpu.memory_space<semaphore_mem>>) src(%dma_wait3A_49 : memref<2600000x16xf32, #tpu.memory_space<hbm>>) dst(%arg7 : memref<1664x16xf32, #tpu.memory_space<vmem>>)
    %add3A_50 = arith.constant 3328 : i32
    %add3A_51 = arith.addi %mul3A_2, %add3A_50 : i32
    %dma_start3A_52 = arith.constant 0 : i32
    %dma_start3A_53 = tpu.memref_slice %arg4[%add3A_51, %dma_start3A_52] : memref<425984x16xf32, #tpu.memory_space<hbm>> -> memref<1664x16xf32, #tpu.memory_space<hbm>>
    %dma_start3A_54 = arith.constant 0 : i32
    %dma_start3A_55 = tpu.memref_slice %arg4[%add3A_51, %dma_start3A_54] : memref<425984x16xf32, #tpu.memory_space<hbm>> -> memref<1664x16xf32, #tpu.memory_space<hbm>>
    tpu.enqueue_dma source(%arg7 : memref<1664x16xf32, #tpu.memory_space<vmem>>) target(%dma_start3A_55 : memref<1664x16xf32, #tpu.memory_space<hbm>>) target_semaphore(%arg11 : memref<!tpu.dma_semaphore, #tpu.memory_space<semaphore_mem>>)
    %dma_wait3A_56 = arith.constant 0 : i32
    %dma_wait3A_57 = tpu.memref_slice %arg4[%add3A_51, %dma_wait3A_56] : memref<425984x16xf32, #tpu.memory_space<hbm>> -> memref<1664x16xf32, #tpu.memory_space<hbm>>
    %dma_wait3A_58 = arith.constant 0 : i32
    %dma_wait3A_59 = tpu.memref_slice %arg4[%add3A_51, %dma_wait3A_58] : memref<425984x16xf32, #tpu.memory_space<hbm>> -> memref<1664x16xf32, #tpu.memory_space<hbm>>
    tpu.wait_dma2 semaphore(%arg11 : memref<!tpu.dma_semaphore, #tpu.memory_space<semaphore_mem>>) src(%arg7 : memref<1664x16xf32, #tpu.memory_space<vmem>>) dst(%dma_wait3A_59 : memref<1664x16xf32, #tpu.memory_space<hbm>>)
    %add3A_60 = arith.constant 6656 : i32
    %add3A_61 = arith.addi %mul3A_2, %add3A_60 : i32
    "tpu.region"() ({
      %run_scoped3A = tpu.sem_alloc : memref<!tpu.dma_semaphore, #tpu.memory_space<semaphore_mem>>
      %dma_start3A_145 = tpu.memref_slice %arg2[%add3A_61] : memref<425984xi32, #tpu.memory_space<hbm>> -> memref<1664xi32, #tpu.memory_space<hbm>>
      %dma_start3A_146 = tpu.memref_slice %arg2[%add3A_61] : memref<425984xi32, #tpu.memory_space<hbm>> -> memref<1664xi32, #tpu.memory_space<hbm>>
      tpu.enqueue_dma source(%dma_start3A_146 : memref<1664xi32, #tpu.memory_space<hbm>>) target(%arg5 : memref<1664xi32, #tpu.memory_space<vmem>>) target_semaphore(%run_scoped3A : memref<!tpu.dma_semaphore, #tpu.memory_space<semaphore_mem>>)
      %dma_wait3A_147 = tpu.memref_slice %arg2[%add3A_61] : memref<425984xi32, #tpu.memory_space<hbm>> -> memref<1664xi32, #tpu.memory_space<hbm>>
      %dma_wait3A_148 = tpu.memref_slice %arg2[%add3A_61] : memref<425984xi32, #tpu.memory_space<hbm>> -> memref<1664xi32, #tpu.memory_space<hbm>>
      tpu.wait_dma2 semaphore(%run_scoped3A : memref<!tpu.dma_semaphore, #tpu.memory_space<semaphore_mem>>) src(%dma_wait3A_148 : memref<1664xi32, #tpu.memory_space<hbm>>) dst(%arg5 : memref<1664xi32, #tpu.memory_space<vmem>>)
      tpu.yield
    }) : () -> ()
    %dma_start3A_62 = arith.constant 0 : i32
    %dma_start3A_63 = arith.constant 0 : i32
    %dma_start3A_64 = tpu.memref_slice %arg3[%dma_start3A_62, %dma_start3A_63] : memref<2600000x16xf32, #tpu.memory_space<hbm>> -> memref<2600000x16xf32, #tpu.memory_space<hbm>>
    tpu.enqueue_indirect_dma source(%dma_start3A_64 : memref<2600000x16xf32, #tpu.memory_space<hbm>>) target(%arg7 : memref<1664x16xf32, #tpu.memory_space<vmem>>) offsets(%arg5 : memref<1664xi32, #tpu.memory_space<vmem>>) semaphore(%arg9 : memref<!tpu.dma_semaphore, #tpu.memory_space<semaphore_mem>>)
    %dma_wait3A_65 = arith.constant 0 : i32
    %dma_wait3A_66 = arith.constant 0 : i32
    %dma_wait3A_67 = tpu.memref_slice %arg3[%dma_wait3A_65, %dma_wait3A_66] : memref<2600000x16xf32, #tpu.memory_space<hbm>> -> memref<2600000x16xf32, #tpu.memory_space<hbm>>
    tpu.wait_indirect_dma semaphore(%arg10 : memref<!tpu.dma_semaphore, #tpu.memory_space<semaphore_mem>>) src(%dma_wait3A_67 : memref<2600000x16xf32, #tpu.memory_space<hbm>>) dst(%arg8 : memref<1664x16xf32, #tpu.memory_space<vmem>>)
    %add3A_68 = arith.constant 4992 : i32
    %add3A_69 = arith.addi %mul3A_2, %add3A_68 : i32
    %dma_start3A_70 = arith.constant 0 : i32
    %dma_start3A_71 = tpu.memref_slice %arg4[%add3A_69, %dma_start3A_70] : memref<425984x16xf32, #tpu.memory_space<hbm>> -> memref<1664x16xf32, #tpu.memory_space<hbm>>
    %dma_start3A_72 = arith.constant 0 : i32
    %dma_start3A_73 = tpu.memref_slice %arg4[%add3A_69, %dma_start3A_72] : memref<425984x16xf32, #tpu.memory_space<hbm>> -> memref<1664x16xf32, #tpu.memory_space<hbm>>
    tpu.enqueue_dma source(%arg8 : memref<1664x16xf32, #tpu.memory_space<vmem>>) target(%dma_start3A_73 : memref<1664x16xf32, #tpu.memory_space<hbm>>) target_semaphore(%arg12 : memref<!tpu.dma_semaphore, #tpu.memory_space<semaphore_mem>>)
    %dma_wait3A_74 = arith.constant 0 : i32
    %dma_wait3A_75 = tpu.memref_slice %arg4[%add3A_69, %dma_wait3A_74] : memref<425984x16xf32, #tpu.memory_space<hbm>> -> memref<1664x16xf32, #tpu.memory_space<hbm>>
    %dma_wait3A_76 = arith.constant 0 : i32
    %dma_wait3A_77 = tpu.memref_slice %arg4[%add3A_69, %dma_wait3A_76] : memref<425984x16xf32, #tpu.memory_space<hbm>> -> memref<1664x16xf32, #tpu.memory_space<hbm>>
    tpu.wait_dma2 semaphore(%arg12 : memref<!tpu.dma_semaphore, #tpu.memory_space<semaphore_mem>>) src(%arg8 : memref<1664x16xf32, #tpu.memory_space<vmem>>) dst(%dma_wait3A_77 : memref<1664x16xf32, #tpu.memory_space<hbm>>)
    %add3A_78 = arith.constant 8320 : i32
    %add3A_79 = arith.addi %mul3A_2, %add3A_78 : i32
    "tpu.region"() ({
      %run_scoped3A = tpu.sem_alloc : memref<!tpu.dma_semaphore, #tpu.memory_space<semaphore_mem>>
      %dma_start3A_145 = tpu.memref_slice %arg2[%add3A_79] : memref<425984xi32, #tpu.memory_space<hbm>> -> memref<1664xi32, #tpu.memory_space<hbm>>
      %dma_start3A_146 = tpu.memref_slice %arg2[%add3A_79] : memref<425984xi32, #tpu.memory_space<hbm>> -> memref<1664xi32, #tpu.memory_space<hbm>>
      tpu.enqueue_dma source(%dma_start3A_146 : memref<1664xi32, #tpu.memory_space<hbm>>) target(%arg6 : memref<1664xi32, #tpu.memory_space<vmem>>) target_semaphore(%run_scoped3A : memref<!tpu.dma_semaphore, #tpu.memory_space<semaphore_mem>>)
      %dma_wait3A_147 = tpu.memref_slice %arg2[%add3A_79] : memref<425984xi32, #tpu.memory_space<hbm>> -> memref<1664xi32, #tpu.memory_space<hbm>>
      %dma_wait3A_148 = tpu.memref_slice %arg2[%add3A_79] : memref<425984xi32, #tpu.memory_space<hbm>> -> memref<1664xi32, #tpu.memory_space<hbm>>
      tpu.wait_dma2 semaphore(%run_scoped3A : memref<!tpu.dma_semaphore, #tpu.memory_space<semaphore_mem>>) src(%dma_wait3A_148 : memref<1664xi32, #tpu.memory_space<hbm>>) dst(%arg6 : memref<1664xi32, #tpu.memory_space<vmem>>)
      tpu.yield
    }) : () -> ()
    %dma_start3A_80 = arith.constant 0 : i32
    %dma_start3A_81 = arith.constant 0 : i32
    %dma_start3A_82 = tpu.memref_slice %arg3[%dma_start3A_80, %dma_start3A_81] : memref<2600000x16xf32, #tpu.memory_space<hbm>> -> memref<2600000x16xf32, #tpu.memory_space<hbm>>
    tpu.enqueue_indirect_dma source(%dma_start3A_82 : memref<2600000x16xf32, #tpu.memory_space<hbm>>) target(%arg8 : memref<1664x16xf32, #tpu.memory_space<vmem>>) offsets(%arg6 : memref<1664xi32, #tpu.memory_space<vmem>>) semaphore(%arg10 : memref<!tpu.dma_semaphore, #tpu.memory_space<semaphore_mem>>)
    %dma_wait3A_83 = arith.constant 0 : i32
    %dma_wait3A_84 = arith.constant 0 : i32
    %dma_wait3A_85 = tpu.memref_slice %arg3[%dma_wait3A_83, %dma_wait3A_84] : memref<2600000x16xf32, #tpu.memory_space<hbm>> -> memref<2600000x16xf32, #tpu.memory_space<hbm>>
    tpu.wait_indirect_dma semaphore(%arg9 : memref<!tpu.dma_semaphore, #tpu.memory_space<semaphore_mem>>) src(%dma_wait3A_85 : memref<2600000x16xf32, #tpu.memory_space<hbm>>) dst(%arg7 : memref<1664x16xf32, #tpu.memory_space<vmem>>)
    %add3A_86 = arith.constant 6656 : i32
    %add3A_87 = arith.addi %mul3A_2, %add3A_86 : i32
    %dma_start3A_88 = arith.constant 0 : i32
    %dma_start3A_89 = tpu.memref_slice %arg4[%add3A_87, %dma_start3A_88] : memref<425984x16xf32, #tpu.memory_space<hbm>> -> memref<1664x16xf32, #tpu.memory_space<hbm>>
    %dma_start3A_90 = arith.constant 0 : i32
    %dma_start3A_91 = tpu.memref_slice %arg4[%add3A_87, %dma_start3A_90] : memref<425984x16xf32, #tpu.memory_space<hbm>> -> memref<1664x16xf32, #tpu.memory_space<hbm>>
    tpu.enqueue_dma source(%arg7 : memref<1664x16xf32, #tpu.memory_space<vmem>>) target(%dma_start3A_91 : memref<1664x16xf32, #tpu.memory_space<hbm>>) target_semaphore(%arg11 : memref<!tpu.dma_semaphore, #tpu.memory_space<semaphore_mem>>)
    %dma_wait3A_92 = arith.constant 0 : i32
    %dma_wait3A_93 = tpu.memref_slice %arg4[%add3A_87, %dma_wait3A_92] : memref<425984x16xf32, #tpu.memory_space<hbm>> -> memref<1664x16xf32, #tpu.memory_space<hbm>>
    %dma_wait3A_94 = arith.constant 0 : i32
    %dma_wait3A_95 = tpu.memref_slice %arg4[%add3A_87, %dma_wait3A_94] : memref<425984x16xf32, #tpu.memory_space<hbm>> -> memref<1664x16xf32, #tpu.memory_space<hbm>>
    tpu.wait_dma2 semaphore(%arg11 : memref<!tpu.dma_semaphore, #tpu.memory_space<semaphore_mem>>) src(%arg7 : memref<1664x16xf32, #tpu.memory_space<vmem>>) dst(%dma_wait3A_95 : memref<1664x16xf32, #tpu.memory_space<hbm>>)
    %add3A_96 = arith.constant 9984 : i32
    %add3A_97 = arith.addi %mul3A_2, %add3A_96 : i32
    "tpu.region"() ({
      %run_scoped3A = tpu.sem_alloc : memref<!tpu.dma_semaphore, #tpu.memory_space<semaphore_mem>>
      %dma_start3A_145 = tpu.memref_slice %arg2[%add3A_97] : memref<425984xi32, #tpu.memory_space<hbm>> -> memref<1664xi32, #tpu.memory_space<hbm>>
      %dma_start3A_146 = tpu.memref_slice %arg2[%add3A_97] : memref<425984xi32, #tpu.memory_space<hbm>> -> memref<1664xi32, #tpu.memory_space<hbm>>
      tpu.enqueue_dma source(%dma_start3A_146 : memref<1664xi32, #tpu.memory_space<hbm>>) target(%arg5 : memref<1664xi32, #tpu.memory_space<vmem>>) target_semaphore(%run_scoped3A : memref<!tpu.dma_semaphore, #tpu.memory_space<semaphore_mem>>)
      %dma_wait3A_147 = tpu.memref_slice %arg2[%add3A_97] : memref<425984xi32, #tpu.memory_space<hbm>> -> memref<1664xi32, #tpu.memory_space<hbm>>
      %dma_wait3A_148 = tpu.memref_slice %arg2[%add3A_97] : memref<425984xi32, #tpu.memory_space<hbm>> -> memref<1664xi32, #tpu.memory_space<hbm>>
      tpu.wait_dma2 semaphore(%run_scoped3A : memref<!tpu.dma_semaphore, #tpu.memory_space<semaphore_mem>>) src(%dma_wait3A_148 : memref<1664xi32, #tpu.memory_space<hbm>>) dst(%arg5 : memref<1664xi32, #tpu.memory_space<vmem>>)
      tpu.yield
    }) : () -> ()
    %dma_start3A_98 = arith.constant 0 : i32
    %dma_start3A_99 = arith.constant 0 : i32
    %dma_start3A_100 = tpu.memref_slice %arg3[%dma_start3A_98, %dma_start3A_99] : memref<2600000x16xf32, #tpu.memory_space<hbm>> -> memref<2600000x16xf32, #tpu.memory_space<hbm>>
    tpu.enqueue_indirect_dma source(%dma_start3A_100 : memref<2600000x16xf32, #tpu.memory_space<hbm>>) target(%arg7 : memref<1664x16xf32, #tpu.memory_space<vmem>>) offsets(%arg5 : memref<1664xi32, #tpu.memory_space<vmem>>) semaphore(%arg9 : memref<!tpu.dma_semaphore, #tpu.memory_space<semaphore_mem>>)
    %dma_wait3A_101 = arith.constant 0 : i32
    %dma_wait3A_102 = arith.constant 0 : i32
    %dma_wait3A_103 = tpu.memref_slice %arg3[%dma_wait3A_101, %dma_wait3A_102] : memref<2600000x16xf32, #tpu.memory_space<hbm>> -> memref<2600000x16xf32, #tpu.memory_space<hbm>>
    tpu.wait_indirect_dma semaphore(%arg10 : memref<!tpu.dma_semaphore, #tpu.memory_space<semaphore_mem>>) src(%dma_wait3A_103 : memref<2600000x16xf32, #tpu.memory_space<hbm>>) dst(%arg8 : memref<1664x16xf32, #tpu.memory_space<vmem>>)
    %add3A_104 = arith.constant 8320 : i32
    %add3A_105 = arith.addi %mul3A_2, %add3A_104 : i32
    %dma_start3A_106 = arith.constant 0 : i32
    %dma_start3A_107 = tpu.memref_slice %arg4[%add3A_105, %dma_start3A_106] : memref<425984x16xf32, #tpu.memory_space<hbm>> -> memref<1664x16xf32, #tpu.memory_space<hbm>>
    %dma_start3A_108 = arith.constant 0 : i32
    %dma_start3A_109 = tpu.memref_slice %arg4[%add3A_105, %dma_start3A_108] : memref<425984x16xf32, #tpu.memory_space<hbm>> -> memref<1664x16xf32, #tpu.memory_space<hbm>>
    tpu.enqueue_dma source(%arg8 : memref<1664x16xf32, #tpu.memory_space<vmem>>) target(%dma_start3A_109 : memref<1664x16xf32, #tpu.memory_space<hbm>>) target_semaphore(%arg12 : memref<!tpu.dma_semaphore, #tpu.memory_space<semaphore_mem>>)
    %dma_wait3A_110 = arith.constant 0 : i32
    %dma_wait3A_111 = tpu.memref_slice %arg4[%add3A_105, %dma_wait3A_110] : memref<425984x16xf32, #tpu.memory_space<hbm>> -> memref<1664x16xf32, #tpu.memory_space<hbm>>
    %dma_wait3A_112 = arith.constant 0 : i32
    %dma_wait3A_113 = tpu.memref_slice %arg4[%add3A_105, %dma_wait3A_112] : memref<425984x16xf32, #tpu.memory_space<hbm>> -> memref<1664x16xf32, #tpu.memory_space<hbm>>
    tpu.wait_dma2 semaphore(%arg12 : memref<!tpu.dma_semaphore, #tpu.memory_space<semaphore_mem>>) src(%arg8 : memref<1664x16xf32, #tpu.memory_space<vmem>>) dst(%dma_wait3A_113 : memref<1664x16xf32, #tpu.memory_space<hbm>>)
    %add3A_114 = arith.constant 11648 : i32
    %add3A_115 = arith.addi %mul3A_2, %add3A_114 : i32
    "tpu.region"() ({
      %run_scoped3A = tpu.sem_alloc : memref<!tpu.dma_semaphore, #tpu.memory_space<semaphore_mem>>
      %dma_start3A_145 = tpu.memref_slice %arg2[%add3A_115] : memref<425984xi32, #tpu.memory_space<hbm>> -> memref<1664xi32, #tpu.memory_space<hbm>>
      %dma_start3A_146 = tpu.memref_slice %arg2[%add3A_115] : memref<425984xi32, #tpu.memory_space<hbm>> -> memref<1664xi32, #tpu.memory_space<hbm>>
      tpu.enqueue_dma source(%dma_start3A_146 : memref<1664xi32, #tpu.memory_space<hbm>>) target(%arg6 : memref<1664xi32, #tpu.memory_space<vmem>>) target_semaphore(%run_scoped3A : memref<!tpu.dma_semaphore, #tpu.memory_space<semaphore_mem>>)
      %dma_wait3A_147 = tpu.memref_slice %arg2[%add3A_115] : memref<425984xi32, #tpu.memory_space<hbm>> -> memref<1664xi32, #tpu.memory_space<hbm>>
      %dma_wait3A_148 = tpu.memref_slice %arg2[%add3A_115] : memref<425984xi32, #tpu.memory_space<hbm>> -> memref<1664xi32, #tpu.memory_space<hbm>>
      tpu.wait_dma2 semaphore(%run_scoped3A : memref<!tpu.dma_semaphore, #tpu.memory_space<semaphore_mem>>) src(%dma_wait3A_148 : memref<1664xi32, #tpu.memory_space<hbm>>) dst(%arg6 : memref<1664xi32, #tpu.memory_space<vmem>>)
      tpu.yield
    }) : () -> ()
    %dma_start3A_116 = arith.constant 0 : i32
    %dma_start3A_117 = arith.constant 0 : i32
    %dma_start3A_118 = tpu.memref_slice %arg3[%dma_start3A_116, %dma_start3A_117] : memref<2600000x16xf32, #tpu.memory_space<hbm>> -> memref<2600000x16xf32, #tpu.memory_space<hbm>>
    tpu.enqueue_indirect_dma source(%dma_start3A_118 : memref<2600000x16xf32, #tpu.memory_space<hbm>>) target(%arg8 : memref<1664x16xf32, #tpu.memory_space<vmem>>) offsets(%arg6 : memref<1664xi32, #tpu.memory_space<vmem>>) semaphore(%arg10 : memref<!tpu.dma_semaphore, #tpu.memory_space<semaphore_mem>>)
    %dma_wait3A_119 = arith.constant 0 : i32
    %dma_wait3A_120 = arith.constant 0 : i32
    %dma_wait3A_121 = tpu.memref_slice %arg3[%dma_wait3A_119, %dma_wait3A_120] : memref<2600000x16xf32, #tpu.memory_space<hbm>> -> memref<2600000x16xf32, #tpu.memory_space<hbm>>
    tpu.wait_indirect_dma semaphore(%arg9 : memref<!tpu.dma_semaphore, #tpu.memory_space<semaphore_mem>>) src(%dma_wait3A_121 : memref<2600000x16xf32, #tpu.memory_space<hbm>>) dst(%arg7 : memref<1664x16xf32, #tpu.memory_space<vmem>>)
    %add3A_122 = arith.constant 9984 : i32
    %add3A_123 = arith.addi %mul3A_2, %add3A_122 : i32
    %dma_start3A_124 = arith.constant 0 : i32
    %dma_start3A_125 = tpu.memref_slice %arg4[%add3A_123, %dma_start3A_124] : memref<425984x16xf32, #tpu.memory_space<hbm>> -> memref<1664x16xf32, #tpu.memory_space<hbm>>
    %dma_start3A_126 = arith.constant 0 : i32
    %dma_start3A_127 = tpu.memref_slice %arg4[%add3A_123, %dma_start3A_126] : memref<425984x16xf32, #tpu.memory_space<hbm>> -> memref<1664x16xf32, #tpu.memory_space<hbm>>
    tpu.enqueue_dma source(%arg7 : memref<1664x16xf32, #tpu.memory_space<vmem>>) target(%dma_start3A_127 : memref<1664x16xf32, #tpu.memory_space<hbm>>) target_semaphore(%arg11 : memref<!tpu.dma_semaphore, #tpu.memory_space<semaphore_mem>>)
    %dma_wait3A_128 = arith.constant 0 : i32
    %dma_wait3A_129 = arith.constant 0 : i32
    %dma_wait3A_130 = tpu.memref_slice %arg3[%dma_wait3A_128, %dma_wait3A_129] : memref<2600000x16xf32, #tpu.memory_space<hbm>> -> memref<2600000x16xf32, #tpu.memory_space<hbm>>
    tpu.wait_indirect_dma semaphore(%arg10 : memref<!tpu.dma_semaphore, #tpu.memory_space<semaphore_mem>>) src(%dma_wait3A_130 : memref<2600000x16xf32, #tpu.memory_space<hbm>>) dst(%arg8 : memref<1664x16xf32, #tpu.memory_space<vmem>>)
    %add3A_131 = arith.constant 11648 : i32
    %add3A_132 = arith.addi %mul3A_2, %add3A_131 : i32
    %dma_start3A_133 = arith.constant 0 : i32
    %dma_start3A_134 = tpu.memref_slice %arg4[%add3A_132, %dma_start3A_133] : memref<425984x16xf32, #tpu.memory_space<hbm>> -> memref<1664x16xf32, #tpu.memory_space<hbm>>
    %dma_start3A_135 = arith.constant 0 : i32
    %dma_start3A_136 = tpu.memref_slice %arg4[%add3A_132, %dma_start3A_135] : memref<425984x16xf32, #tpu.memory_space<hbm>> -> memref<1664x16xf32, #tpu.memory_space<hbm>>
    tpu.enqueue_dma source(%arg8 : memref<1664x16xf32, #tpu.memory_space<vmem>>) target(%dma_start3A_136 : memref<1664x16xf32, #tpu.memory_space<hbm>>) target_semaphore(%arg12 : memref<!tpu.dma_semaphore, #tpu.memory_space<semaphore_mem>>)
    %dma_wait3A_137 = arith.constant 0 : i32
    %dma_wait3A_138 = tpu.memref_slice %arg4[%add3A_123, %dma_wait3A_137] : memref<425984x16xf32, #tpu.memory_space<hbm>> -> memref<1664x16xf32, #tpu.memory_space<hbm>>
    %dma_wait3A_139 = arith.constant 0 : i32
    %dma_wait3A_140 = tpu.memref_slice %arg4[%add3A_123, %dma_wait3A_139] : memref<425984x16xf32, #tpu.memory_space<hbm>> -> memref<1664x16xf32, #tpu.memory_space<hbm>>
    tpu.wait_dma2 semaphore(%arg11 : memref<!tpu.dma_semaphore, #tpu.memory_space<semaphore_mem>>) src(%arg7 : memref<1664x16xf32, #tpu.memory_space<vmem>>) dst(%dma_wait3A_140 : memref<1664x16xf32, #tpu.memory_space<hbm>>)
    %dma_wait3A_141 = arith.constant 0 : i32
    %dma_wait3A_142 = tpu.memref_slice %arg4[%add3A_132, %dma_wait3A_141] : memref<425984x16xf32, #tpu.memory_space<hbm>> -> memref<1664x16xf32, #tpu.memory_space<hbm>>
    %dma_wait3A_143 = arith.constant 0 : i32
    %dma_wait3A_144 = tpu.memref_slice %arg4[%add3A_132, %dma_wait3A_143] : memref<425984x16xf32, #tpu.memory_space<hbm>> -> memref<1664x16xf32, #tpu.memory_space<hbm>>
    tpu.wait_dma2 semaphore(%arg12 : memref<!tpu.dma_semaphore, #tpu.memory_space<semaphore_mem>>) src(%arg8 : memref<1664x16xf32, #tpu.memory_space<vmem>>) dst(%dma_wait3A_144 : memref<1664x16xf32, #tpu.memory_space<hbm>>)
    return
  }
}

module attributes {stable_mosaic.version = 14 : i64} {
  func.func @_mlp_body(%arg0: i32, %arg1: memref<2048x416xf32, #tpu.memory_space<vmem>>, %arg2: memref<2048x13xf32, #tpu.memory_space<vmem>>, %arg3: memref<1x13xf32, #tpu.memory_space<vmem>>, %arg4: memref<1x13xf32, #tpu.memory_space<vmem>>, %arg5: memref<416x512xf32, #tpu.memory_space<vmem>>, %arg6: memref<13x512xf32, #tpu.memory_space<vmem>>, %arg7: memref<1x512xf32, #tpu.memory_space<vmem>>, %arg8: memref<1x512xf32, #tpu.memory_space<vmem>>, %arg9: memref<1x512xf32, #tpu.memory_space<vmem>>, %arg10: memref<512x256xf32, #tpu.memory_space<vmem>>, %arg11: memref<1x256xf32, #tpu.memory_space<vmem>>, %arg12: memref<1x256xf32, #tpu.memory_space<vmem>>, %arg13: memref<1x256xf32, #tpu.memory_space<vmem>>, %arg14: memref<256x2xf32, #tpu.memory_space<vmem>>, %arg15: memref<1x2xf32, #tpu.memory_space<vmem>>, %arg16: memref<2048x2xf32, #tpu.memory_space<vmem>>) attributes {dimension_semantics = [#tpu.dimension_semantics<arbitrary>], iteration_bounds = array<i64: 8>, scalar_prefetch = 0 : i64, scratch_operands = 0 : i64, tpu.core_type = #tpu.core_type<tc>, window_params = [{transform_indices = @transform_0, window_bounds = array<i64: 2048, 416>}, {transform_indices = @transform_1, window_bounds = array<i64: 2048, 13>}, {pipeline_mode = #tpu.pipeline_mode<synchronous>, transform_indices = @transform_2, window_bounds = array<i64: 1, 13>}, {pipeline_mode = #tpu.pipeline_mode<synchronous>, transform_indices = @transform_3, window_bounds = array<i64: 1, 13>}, {pipeline_mode = #tpu.pipeline_mode<synchronous>, transform_indices = @transform_4, window_bounds = array<i64: 416, 512>}, {pipeline_mode = #tpu.pipeline_mode<synchronous>, transform_indices = @transform_5, window_bounds = array<i64: 13, 512>}, {pipeline_mode = #tpu.pipeline_mode<synchronous>, transform_indices = @transform_6, window_bounds = array<i64: 1, 512>}, {pipeline_mode = #tpu.pipeline_mode<synchronous>, transform_indices = @transform_7, window_bounds = array<i64: 1, 512>}, {pipeline_mode = #tpu.pipeline_mode<synchronous>, transform_indices = @transform_8, window_bounds = array<i64: 1, 512>}, {pipeline_mode = #tpu.pipeline_mode<synchronous>, transform_indices = @transform_9, window_bounds = array<i64: 512, 256>}, {pipeline_mode = #tpu.pipeline_mode<synchronous>, transform_indices = @transform_10, window_bounds = array<i64: 1, 256>}, {pipeline_mode = #tpu.pipeline_mode<synchronous>, transform_indices = @transform_11, window_bounds = array<i64: 1, 256>}, {pipeline_mode = #tpu.pipeline_mode<synchronous>, transform_indices = @transform_12, window_bounds = array<i64: 1, 256>}, {pipeline_mode = #tpu.pipeline_mode<synchronous>, transform_indices = @transform_13, window_bounds = array<i64: 256, 2>}, {pipeline_mode = #tpu.pipeline_mode<synchronous>, transform_indices = @transform_14, window_bounds = array<i64: 1, 2>}, {transform_indices = @transform_15, window_bounds = array<i64: 2048, 2>}]} {
    %get3A = arith.constant 0 : index
    %get3A_0 = arith.constant 0 : index
    %get3A_1 = vector.load %arg3[%get3A, %get3A_0] : memref<1x13xf32, #tpu.memory_space<vmem>>, vector<1x13xf32>
    %get3A_2 = arith.constant 0 : index
    %get3A_3 = arith.constant 0 : index
    %get3A_4 = vector.load %arg2[%get3A_2, %get3A_3] : memref<2048x13xf32, #tpu.memory_space<vmem>>, vector<2048x13xf32>
    %mul3A = arith.constant 0.999994993 : f32
    %mul3A_5 = vector.broadcast %mul3A : f32 to vector<2048x13xf32>
    %mul3A_6 = arith.mulf %get3A_4, %mul3A_5 : vector<2048x13xf32>
    %mul3A_7 = vector.broadcast %get3A_1 : vector<1x13xf32> to vector<2048x13xf32>
    %mul3A_8 = arith.mulf %mul3A_7, %mul3A_6 : vector<2048x13xf32>
    %get3A_9 = arith.constant 0 : index
    %get3A_10 = arith.constant 0 : index
    %get3A_11 = vector.load %arg4[%get3A_9, %get3A_10] : memref<1x13xf32, #tpu.memory_space<vmem>>, vector<1x13xf32>
    %add3A = vector.broadcast %get3A_11 : vector<1x13xf32> to vector<2048x13xf32>
    %add3A_12 = arith.addf %mul3A_8, %add3A : vector<2048x13xf32>
    %get3A_13 = arith.constant 0 : index
    %get3A_14 = arith.constant 0 : index
    %get3A_15 = vector.load %arg1[%get3A_13, %get3A_14] : memref<2048x416xf32, #tpu.memory_space<vmem>>, vector<2048x416xf32>
    %get3A_16 = arith.constant 0 : index
    %get3A_17 = arith.constant 0 : index
    %get3A_18 = vector.load %arg5[%get3A_16, %get3A_17] : memref<416x512xf32, #tpu.memory_space<vmem>>, vector<416x512xf32>
    %dot_general3A = arith.constant dense<0.000000e+00> : vector<2048x512xf32>
    %dot_general3A_19 = tpu.matmul %get3A_15, %get3A_18, %dot_general3A {dimension_numbers = #tpu.dot_dimension_numbers<[1], [0], [0], [1], [0, 0, 1, 1], [], []>, transpose_lhs_hint = false} : vector<2048x416xf32>, vector<416x512xf32>, vector<2048x512xf32> -> vector<2048x512xf32>
    %get3A_20 = arith.constant 0 : index
    %get3A_21 = arith.constant 0 : index
    %get3A_22 = vector.load %arg6[%get3A_20, %get3A_21] : memref<13x512xf32, #tpu.memory_space<vmem>>, vector<13x512xf32>
    %dot_general3A_23 = arith.constant dense<0.000000e+00> : vector<2048x512xf32>
    %dot_general3A_24 = tpu.matmul %add3A_12, %get3A_22, %dot_general3A_23 {dimension_numbers = #tpu.dot_dimension_numbers<[1], [0], [0], [1], [0, 0, 1, 1], [], []>, transpose_lhs_hint = false} : vector<2048x13xf32>, vector<13x512xf32>, vector<2048x512xf32> -> vector<2048x512xf32>
    %add3A_25 = arith.addf %dot_general3A_19, %dot_general3A_24 : vector<2048x512xf32>
    %get3A_26 = arith.constant 0 : index
    %get3A_27 = arith.constant 0 : index
    %get3A_28 = vector.load %arg7[%get3A_26, %get3A_27] : memref<1x512xf32, #tpu.memory_space<vmem>>, vector<1x512xf32>
    %add3A_29 = vector.broadcast %get3A_28 : vector<1x512xf32> to vector<2048x512xf32>
    %add3A_30 = arith.addf %add3A_25, %add3A_29 : vector<2048x512xf32>
    %max3A = arith.constant 0.000000e+00 : f32
    %max3A_31 = vector.broadcast %max3A : f32 to vector<2048x512xf32>
    %max3A_32 = arith.maximumf %add3A_30, %max3A_31 : vector<2048x512xf32>
    %get3A_33 = arith.constant 0 : index
    %get3A_34 = arith.constant 0 : index
    %get3A_35 = vector.load %arg8[%get3A_33, %get3A_34] : memref<1x512xf32, #tpu.memory_space<vmem>>, vector<1x512xf32>
    %mul3A_36 = arith.constant 0.999994993 : f32
    %mul3A_37 = vector.broadcast %mul3A_36 : f32 to vector<2048x512xf32>
    %mul3A_38 = arith.mulf %max3A_32, %mul3A_37 : vector<2048x512xf32>
    %mul3A_39 = vector.broadcast %get3A_35 : vector<1x512xf32> to vector<2048x512xf32>
    %mul3A_40 = arith.mulf %mul3A_39, %mul3A_38 : vector<2048x512xf32>
    %get3A_41 = arith.constant 0 : index
    %get3A_42 = arith.constant 0 : index
    %get3A_43 = vector.load %arg9[%get3A_41, %get3A_42] : memref<1x512xf32, #tpu.memory_space<vmem>>, vector<1x512xf32>
    %add3A_44 = vector.broadcast %get3A_43 : vector<1x512xf32> to vector<2048x512xf32>
    %add3A_45 = arith.addf %mul3A_40, %add3A_44 : vector<2048x512xf32>
    %get3A_46 = arith.constant 0 : index
    %get3A_47 = arith.constant 0 : index
    %get3A_48 = vector.load %arg10[%get3A_46, %get3A_47] : memref<512x256xf32, #tpu.memory_space<vmem>>, vector<512x256xf32>
    %dot_general3A_49 = arith.constant dense<0.000000e+00> : vector<2048x256xf32>
    %dot_general3A_50 = tpu.matmul %add3A_45, %get3A_48, %dot_general3A_49 {dimension_numbers = #tpu.dot_dimension_numbers<[1], [0], [0], [1], [0, 0, 1, 1], [], []>, transpose_lhs_hint = false} : vector<2048x512xf32>, vector<512x256xf32>, vector<2048x256xf32> -> vector<2048x256xf32>
    %get3A_51 = arith.constant 0 : index
    %get3A_52 = arith.constant 0 : index
    %get3A_53 = vector.load %arg11[%get3A_51, %get3A_52] : memref<1x256xf32, #tpu.memory_space<vmem>>, vector<1x256xf32>
    %add3A_54 = vector.broadcast %get3A_53 : vector<1x256xf32> to vector<2048x256xf32>
    %add3A_55 = arith.addf %dot_general3A_50, %add3A_54 : vector<2048x256xf32>
    %max3A_56 = arith.constant 0.000000e+00 : f32
    %max3A_57 = vector.broadcast %max3A_56 : f32 to vector<2048x256xf32>
    %max3A_58 = arith.maximumf %add3A_55, %max3A_57 : vector<2048x256xf32>
    %get3A_59 = arith.constant 0 : index
    %get3A_60 = arith.constant 0 : index
    %get3A_61 = vector.load %arg12[%get3A_59, %get3A_60] : memref<1x256xf32, #tpu.memory_space<vmem>>, vector<1x256xf32>
    %mul3A_62 = arith.constant 0.999994993 : f32
    %mul3A_63 = vector.broadcast %mul3A_62 : f32 to vector<2048x256xf32>
    %mul3A_64 = arith.mulf %max3A_58, %mul3A_63 : vector<2048x256xf32>
    %mul3A_65 = vector.broadcast %get3A_61 : vector<1x256xf32> to vector<2048x256xf32>
    %mul3A_66 = arith.mulf %mul3A_65, %mul3A_64 : vector<2048x256xf32>
    %get3A_67 = arith.constant 0 : index
    %get3A_68 = arith.constant 0 : index
    %get3A_69 = vector.load %arg13[%get3A_67, %get3A_68] : memref<1x256xf32, #tpu.memory_space<vmem>>, vector<1x256xf32>
    %add3A_70 = vector.broadcast %get3A_69 : vector<1x256xf32> to vector<2048x256xf32>
    %add3A_71 = arith.addf %mul3A_66, %add3A_70 : vector<2048x256xf32>
    %get3A_72 = arith.constant 0 : index
    %get3A_73 = arith.constant 0 : index
    %get3A_74 = vector.load %arg14[%get3A_72, %get3A_73] : memref<256x2xf32, #tpu.memory_space<vmem>>, vector<256x2xf32>
    %dot_general3A_75 = arith.constant dense<0.000000e+00> : vector<2048x2xf32>
    %dot_general3A_76 = tpu.matmul %add3A_71, %get3A_74, %dot_general3A_75 {dimension_numbers = #tpu.dot_dimension_numbers<[1], [0], [0], [1], [0, 0, 1, 1], [], []>, transpose_lhs_hint = false} : vector<2048x256xf32>, vector<256x2xf32>, vector<2048x2xf32> -> vector<2048x2xf32>
    %get3A_77 = arith.constant 0 : index
    %get3A_78 = arith.constant 0 : index
    %get3A_79 = vector.load %arg15[%get3A_77, %get3A_78] : memref<1x2xf32, #tpu.memory_space<vmem>>, vector<1x2xf32>
    %add3A_80 = vector.broadcast %get3A_79 : vector<1x2xf32> to vector<2048x2xf32>
    %add3A_81 = arith.addf %dot_general3A_76, %add3A_80 : vector<2048x2xf32>
    %swap3A = arith.constant 0 : index
    %swap3A_82 = arith.constant 0 : index
    %swap3A_83 = vector.load %arg16[%swap3A, %swap3A_82] : memref<2048x2xf32, #tpu.memory_space<vmem>>, vector<2048x2xf32>
    tpu.vector_store %arg16[%swap3A, %swap3A_82], %add3A_81 {strides = array<i32>} : memref<2048x2xf32, #tpu.memory_space<vmem>>, vector<2048x2xf32>,
    return
  }
  func.func @transform_0(%arg0: i32) -> (i32, i32) {
    %c0_i32 = arith.constant 0 : i32
    %c0_i32_0 = arith.constant 0 : i32
    return %arg0, %c0_i32 : i32, i32
  }
  func.func @transform_1(%arg0: i32) -> (i32, i32) {
    %c0_i32 = arith.constant 0 : i32
    %c0_i32_0 = arith.constant 0 : i32
    return %arg0, %c0_i32 : i32, i32
  }
  func.func @transform_2(%arg0: i32) -> (i32, i32) {
    %c0_i32 = arith.constant 0 : i32
    %c0_i32_0 = arith.constant 0 : i32
    %c0_i32_1 = arith.constant 0 : i32
    return %c0_i32, %c0_i32_0 : i32, i32
  }
  func.func @transform_3(%arg0: i32) -> (i32, i32) {
    %c0_i32 = arith.constant 0 : i32
    %c0_i32_0 = arith.constant 0 : i32
    %c0_i32_1 = arith.constant 0 : i32
    return %c0_i32, %c0_i32_0 : i32, i32
  }
  func.func @transform_4(%arg0: i32) -> (i32, i32) {
    %c0_i32 = arith.constant 0 : i32
    %c0_i32_0 = arith.constant 0 : i32
    %c0_i32_1 = arith.constant 0 : i32
    return %c0_i32, %c0_i32_0 : i32, i32
  }
  func.func @transform_5(%arg0: i32) -> (i32, i32) {
    %c0_i32 = arith.constant 0 : i32
    %c0_i32_0 = arith.constant 0 : i32
    %c0_i32_1 = arith.constant 0 : i32
    return %c0_i32, %c0_i32_0 : i32, i32
  }
  func.func @transform_6(%arg0: i32) -> (i32, i32) {
    %c0_i32 = arith.constant 0 : i32
    %c0_i32_0 = arith.constant 0 : i32
    %c0_i32_1 = arith.constant 0 : i32
    return %c0_i32, %c0_i32_0 : i32, i32
  }
  func.func @transform_7(%arg0: i32) -> (i32, i32) {
    %c0_i32 = arith.constant 0 : i32
    %c0_i32_0 = arith.constant 0 : i32
    %c0_i32_1 = arith.constant 0 : i32
    return %c0_i32, %c0_i32_0 : i32, i32
  }
  func.func @transform_8(%arg0: i32) -> (i32, i32) {
    %c0_i32 = arith.constant 0 : i32
    %c0_i32_0 = arith.constant 0 : i32
    %c0_i32_1 = arith.constant 0 : i32
    return %c0_i32, %c0_i32_0 : i32, i32
  }
  func.func @transform_9(%arg0: i32) -> (i32, i32) {
    %c0_i32 = arith.constant 0 : i32
    %c0_i32_0 = arith.constant 0 : i32
    %c0_i32_1 = arith.constant 0 : i32
    return %c0_i32, %c0_i32_0 : i32, i32
  }
  func.func @transform_10(%arg0: i32) -> (i32, i32) {
    %c0_i32 = arith.constant 0 : i32
    %c0_i32_0 = arith.constant 0 : i32
    %c0_i32_1 = arith.constant 0 : i32
    return %c0_i32, %c0_i32_0 : i32, i32
  }
  func.func @transform_11(%arg0: i32) -> (i32, i32) {
    %c0_i32 = arith.constant 0 : i32
    %c0_i32_0 = arith.constant 0 : i32
    %c0_i32_1 = arith.constant 0 : i32
    return %c0_i32, %c0_i32_0 : i32, i32
  }
  func.func @transform_12(%arg0: i32) -> (i32, i32) {
    %c0_i32 = arith.constant 0 : i32
    %c0_i32_0 = arith.constant 0 : i32
    %c0_i32_1 = arith.constant 0 : i32
    return %c0_i32, %c0_i32_0 : i32, i32
  }
  func.func @transform_13(%arg0: i32) -> (i32, i32) {
    %c0_i32 = arith.constant 0 : i32
    %c0_i32_0 = arith.constant 0 : i32
    %c0_i32_1 = arith.constant 0 : i32
    return %c0_i32, %c0_i32_0 : i32, i32
  }
  func.func @transform_14(%arg0: i32) -> (i32, i32) {
    %c0_i32 = arith.constant 0 : i32
    %c0_i32_0 = arith.constant 0 : i32
    %c0_i32_1 = arith.constant 0 : i32
    return %c0_i32, %c0_i32_0 : i32, i32
  }
  func.func @transform_15(%arg0: i32) -> (i32, i32) {
    %c0_i32 = arith.constant 0 : i32
    %c0_i32_0 = arith.constant 0 : i32
    return %arg0, %c0_i32 : i32, i32
  }
}

</mosaic_0001>

<sc_bundles>
// kernel: kernel.4.cloned.1.call-start
scs
__scs_entry_jumppad:
0x0: {  	(pc) =	sbr.rel $0x88, $3  }
0x1: {  	(tag) =	ssettag $0x0;
	lr =	simm.s32 $0x1  }
0x2: {  	[smem:$0x3F92] =	sst lr;
	_ =	strace $0xD0000000  }
0x3: {  	_ = 	snop  }
0x4: {  	_ = 	snop  }
0x5: {  	_ = 	snop  }
0x6: {  	_ = 	snop  }
0x7: {  	_ = 	snop  }
__scs_overlays_trampoline_lowered:
0x8: {  	[smem:$0x3FA1] =	sst s0  }
0x9: {  	[smem:$0x3FA2] =	sst s1  }
0xa: {  	[smem:$0x3FA3] =	sst s2  }
0xb: {  	[smem:$0x3FA4] =	sst s3  }
0xc: {  	[smem:$0x3FA5] =	sst s4  }
0xd: {  	[smem:$0x3FA6] =	sst s5  }
0xe: {  	[smem:$0x3FA7] =	sst s6  }
0xf: {  	[smem:$0x3FA8] =	sst s7  }
0x10: {  	[smem:$0x3FA9] =	sst s8  }
0x11: {  	[smem:$0x3FAA] =	sst s9;
	s0 =	simm.s32 @!p0 $0x0  }
0x12: {  	s1 =	sld [smem:$0x3F90];
	s0 =	simm.s32 @p0 $0x1  }
0x13: {  	[smem:$0x3FAB] =	sst s0;
	s0 =	simm.s32 @!p1 $0x0  }
0x14: {  	s2 =	sld [smem:$0x3F8F];
	s0 =	simm.s32 @p1 $0x1  }
0x15: {  	[smem:$0x3FAC] =	sst s0;
	s0 =	simm.s32 @!p2 $0x0  }
0x16: {  	s3 =	sld [smem:$0x3FDB];
	s0 =	simm.s32 @p2 $0x1  }
0x17: {  	s4 =	simm.s32 $0x1BF5;
	[smem:$0x3FAE] =	sst s0  }
0x18: {  	s0 =	sld [smem:$0x3F91];
	_ =	swait.ge [sflag:s4], $0x0  }
0x19: {  	s7 =	sld [smem:$0x3F92]  }
0x1a: {  	s8 =	sadd.s32 $0xFFFFE003, lr  }
0x1b: {  	s9 =	sadd.s32 $0xFFFFFEF7, lr;
	s5 =	simm.s32 $0xFFFFFFFF;
	p2 =	slt.u32 s8, $0xFFFFF086  }
0x1c: {  	p1 =	slt.u32 s9, $0xF7A;
	s5 =	simm.s32 @!p2 $0x0  }
0x1d: {  	s5 =	simm.s32 @p1 $0x1;
	p0 =	seq.s32 s7, s2  }
0x1e: {  	s7 =	smul.u32 @!p0 $0xF7A, s2;
	p2 =	seq.s32 @!p0 s5, $0x0  }
0x1f: {  	s9 =	smul.u32 $0xF7A, s1;
	s8 =	simm.s32 @!p0 $0x1BF5;
	p2 =	por !p2, p0  }
0x20: {  	[sflag:s8] =	ssyncset.s32 @!p0 $0xFFFFF086;
	s6 =	sadd.s32 @!p0 s3, s7;
	s7 =	simm.s32 @!p0 $0x108  }
0x21: {  	s3 =	sadd.s32 s3, s9;
	s6 =	sadd.s32 @!p0 $0x88, s6;
	s7 =	simm.s32 @p2 $0x1082  }
0x22: {  	[simem:s7], [sflag:s8] =	dma.local @!p0 [hbm:s6], $0xF7A  }
0x23: {  	s9 =	sor.u32 $0xD0000000, s2;
	s6 =	simm.s32 $0x108;
	_ =	swait.ge @!p0 [sflag:s8], $0x0  }
0x24: {  	s3 =	sadd.s32 $0x88, s3;
	s6 =	simm.s32 @!p1 $0x1082;
	[sflag:s4] =	ssyncset.s32 $0xFFFFF086  }
0x25: {  	[simem:s6], [sflag:s4] =	dma.local [hbm:s3], $0xF7A  }
0x26: {  	[smem:$0x3F92] =	sst s1;
	(tag) =	ssettag s2;
	_ =	strace s9  }
0x27: {  	s1 =	sld [smem:$0x3FA2]  }
0x28: {  	s2 =	sld [smem:$0x3FA3]  }
0x29: {  	s4 =	sld [smem:$0x3FA5]  }
0x2a: {  	p0 =	seq.s32 s5, $0x0;
	s5 =	sld [smem:$0x3FA6]  }
0x2b: {  	s6 =	sld [smem:$0x3FA7]  }
0x2c: {  	s7 =	sld [smem:$0x3FA8]  }
0x2d: {  	s3 =	simm.s32 $0x108;
	s8 =	sld [smem:$0x3FA9]  }
0x2e: {  	s3 =	simm.s32 @!p0 $0x1082;
	s9 =	sld [smem:$0x3FAA]  }
0x2f: {  	lr =	sadd.s32 s0, s3;
	s0 =	sld [smem:$0x3FA1]  }
0x30: {  	s3 =	sld [smem:$0x3FA4]  }
0x31: {  	[smem:$0x3FAD] =	sst s10  }
0x32: {  	s10 =	sld [smem:$0x3FAB];
	_ =	sdelay $0x3  }
0x33: {  	p0 =	seq.s32 s10, $0x1;
	s10 =	sld [smem:$0x3FAD];
	_ =	sdelay $0x3  }
0x34: {  	[smem:$0x3FAD] =	sst s10  }
0x35: {  	s10 =	sld [smem:$0x3FAC];
	_ =	sdelay $0x3  }
0x36: {  	p1 =	seq.s32 s10, $0x1;
	s10 =	sld [smem:$0x3FAD];
	_ =	sdelay $0x3  }
0x37: {  	[smem:$0x3FAD] =	sst s10  }
0x38: {  	s10 =	sld [smem:$0x3FAE]  }
0x39: {  	_ = 	snop;
	(pc) =	sbr.ind lr, $3  }
0x3a: {  	_ = 	snop  }
0x3b: {  	_ = 	snop  }
0x3c: {  	p2 =	seq.s32 s10, $0x1;
	s10 =	sld [smem:$0x3FAD]  }
0x3d: {  	_ =	shalt  }
0x3e: {  	_ =	shalt  }
0x3f: {  	_ =	shalt  }
0x40: {  	_ =	shalt  }
0x41: {  	_ =	shalt  }
0x42: {  	_ =	shalt  }
0x43: {  	_ =	shalt  }
0x44: {  	_ =	shalt  }
0x45: {  	_ =	shalt  }
0x46: {  	_ =	shalt  }
0x47: {  	_ =	shalt  }
0x48: {  	_ =	shalt  }
0x49: {  	_ =	shalt  }
0x4a: {  	_ =	shalt  }
0x4b: {  	_ =	shalt  }
0x4c: {  	_ =	shalt  }
0x4d: {  	_ =	shalt  }
0x4e: {  	_ =	shalt  }
0x4f: {  	_ =	shalt  }
0x50: {  	_ =	shalt  }
0x51: {  	_ =	shalt  }
0x52: {  	_ =	shalt  }
0x53: {  	_ =	shalt  }
0x54: {  	_ =	shalt  }
0x55: {  	_ =	shalt  }
0x56: {  	_ =	shalt  }
0x57: {  	_ =	shalt  }
0x58: {  	_ =	shalt  }
0x59: {  	_ =	shalt  }
0x5a: {  	_ =	shalt  }
0x5b: {  	_ =	shalt  }
0x5c: {  	_ =	shalt  }
0x5d: {  	_ =	shalt  }
0x5e: {  	_ =	shalt  }
0x5f: {  	_ =	shalt  }
0x60: {  	_ =	shalt  }
0x61: {  	_ =	shalt  }
0x62: {  	_ =	shalt  }
0x63: {  	_ =	shalt  }
0x64: {  	_ =	shalt  }
0x65: {  	_ =	shalt  }
0x66: {  	_ =	shalt  }
0x67: {  	_ =	shalt  }
0x68: {  	_ =	shalt  }
0x69: {  	_ =	shalt  }
0x6a: {  	_ =	shalt  }
0x6b: {  	_ =	shalt  }
0x6c: {  	_ =	shalt  }
0x6d: {  	_ =	shalt  }
0x6e: {  	_ =	shalt  }
0x6f: {  	_ =	shalt  }
0x70: {  	_ =	shalt  }
0x71: {  	_ =	shalt  }
0x72: {  	_ =	shalt  }
0x73: {  	_ =	shalt  }
0x74: {  	_ =	shalt  }
0x75: {  	_ =	shalt  }
0x76: {  	_ =	shalt  }
0x77: {  	_ =	shalt  }
0x78: {  	_ =	shalt  }
0x79: {  	_ =	shalt  }
0x7a: {  	_ =	shalt  }
0x7b: {  	_ =	shalt  }
0x7c: {  	_ =	shalt  }
0x7d: {  	_ =	shalt  }
0x7e: {  	_ =	shalt  }
0x7f: {  	_ =	shalt  }
0x80: {  	_ =	shalt  }
0x81: {  	_ =	shalt  }
0x82: {  	_ =	shalt  }
0x83: {  	_ =	shalt  }
0x84: {  	_ =	shalt  }
0x85: {  	_ =	shalt  }
0x86: {  	_ =	shalt  }
0x87: {  	_ =	shalt  }
.Lfunc_end0:
.L_simem_size_0:
called_computation_lowered:
.L_overlay_start_0:
0x88: {  	s2 =	sld [smem:$0x3FD9]  }
0x89: {  	s3 =	sld [smem:$0x3FFE];
	_ =	sdelay $0x1  }
0x8a: {  	s1 =	srdreg.scid  }
0x8b: {  	s0 =	sand.u32 $0x1, s1  }
0x8c: {  	s16 =	sshll.u32 s0, $0xA;
	s2 =	sadd.s32 s3, s2  }
0x8d: {  	s2 =	sadd.s32 s2, s16  }
0x8e: {  	[smem:$0x3FB9] =	sst s2  }
0x8f: {  	_ = 	snop  }
0x90: {  	(tm) =	ssettm $0x1  }
0x91: {  	s17 =	sld [smem:$0x3FFB];
	_ =	sdelay $0x3  }
0x92: {  	_ =	strace s17  }
0x93: {  	s2 =	sld [smem:$0x3FFC];
	_ =	sdelay $0x3  }
0x94: {  	_ =	strace s2  }
0x95: {  	s2 =	sld [smem:$0x3FFD];
	_ =	sdelay $0x3  }
0x96: {  	_ =	strace s2  }
0x97: {  	_ =	strace $0x8FFFFFFF  }
0x98: {  	s18 =	sld [smem:$0x3FDB];
	_ =	sdelay $0x1  }
0x99: {  	s19 =	simm.s32 $_scs_section_size  }
0x9a: {  	s4 =	simm.s32 $_size__tile_overlayer_lowered;
	s5 =	simm.s32 $_tile_overlayer_lowered  }
0x9b: {  	s22 =	simm.s32 $0x1BFF;
	s21 =	sshll.u32 s5, $0x1;
	s2 =	sadd.s32 s19, s18  }
0x9c: {  	s6 =	simm.s32 $0x0;
	s20 =	sshll.u32 s4, $0x1;
	s4 =	sadd.s32 s21, s2  }
0x9d: {  	[timem:s6], [sflag:s22] =	dma.local [hbm:s4], s20  }
0x9e: {  	_ =	swait.ge [sflag:s22], s20  }
0x9f: {  	s3 =	ssub.s32 $0x0, s20;
	[sflag:s22] =	ssyncset.done $0x0  }
0xa0: {  	[sflag:s22] =	ssyncadd.s32 s3;
	_ =	sdelay $0x1  }
0xa1: {  	s23 =	simm.s32 $0x1B8B  }
0xa2: {  	_ =	swait.ge [sflag:s23], $0x1  }
0xa3: {  	[sflag:s23] =	ssyncset.done $0x0  }
0xa4: {  	s25 =	simm.s32 $0x1B8E;
	s24 =	sld [smem:$0x3FFE];
	[sflag:s23] =	ssyncadd.s32 $0xFFFFFFFF  }
0xa5: {  	s26 =	simm.s32 $execute0_lowered;
	[smem:$0x3FD2] =	sst s25  }
0xa6: {  	s4 =	sshll.u32 s26, $0x1;
	_ =	strace $0x80000046;
	[dreg:$0x1] =	wrdreg $0xFFFFFFFF  }
0xa7: {  	s28 =	simm.s32 $_size_execute0_lowered;
	s2 =	sadd.s32 s2, s4;
	[dreg:$0x0] =	wrdreg $0x0  }
0xa8: {  	s4 =	sshll.u32 s28, $0x1;
	[dreg:$0x2] =	wrdreg s2  }
0xa9: {  	[dreg:$0x3] =	wrdreg s4  }
0xaa: {  	[dreg:$0x4] =	wrdreg $0xC0  }
0xab: {  	_ =	task [dreg:s6], $0x5FFFF  }
0xac: {  	[dreg:$0x1] =	wrdreg $0xFFFFFFFF  }
0xad: {  	[dreg:$0x0] =	wrdreg $0x60  }
0xae: {  	[dreg:$0x2] =	wrdreg s24  }
0xaf: {  	[dreg:$0x3] =	wrdreg $0x9  }
0xb0: {  	_ =	task.clear_ibuf [dreg:s6], $0x4FFFF;
	_ =	strace $0x90000046  }
0xb1: {  	s29 =	simm.s32 $0x9;
	_ =	strace $0x80000048  }
0xb2: {  	_ =	swait.ge [sflag:s29], $0x1  }
0xb3: {  	[sflag:s29] =	ssyncadd.s32 $0xFFFFFFFF  }
0xb4: {  	_ =	strace $0x90000048  }
0xb5: {  	_ =	sfence  }
0xb6: {  	s30 =	sld [smem:$0x0];
	_ =	sdelay $0x2  }
0xb7: {  	s31 =	sshll.u32 s1, $0xD;
	s1 =	sshrl.u32 s1, $0x2  }
0xb8: {  	s3 =	sand.u32 $0x4000, s31;
	s1 =	sadd.s32 s1, s30  }
0xb9: {  	s0 =	sor.u32 s3, s0;
	s1 =	sshll.u32 s1, $0x11  }
0xba: {  	s0 =	sor.u32 s1, s0  }
0xbb: {  	s0 =	sadd.s32 $0x8F2B, s0  }
0xbc: {  	[sflag:s0] =	ssyncadd.remote.s32 $0x1  }
0xbd: {  	_ =	sfence.sel $0xFFFF  }
0xbe: {  	[dreg:$0x0] =	wrdreg $0xFFFFFFFF;
	(pc) =	sbr.abs _section_cstart, $3  }
0xbf: {  	[dreg:$0x1] =	wrdreg $0xFFFFFFFF  }
0xc0: {  	_ =	task.clear_ibuf [dreg:s6], $0x2FFFF;
	_ =	strace $0x9FFFFFFF  }
0xc1: {  	(tm) =	ssettm $0x7FFFFFFF  }
tec
execute0_lowered:
.L_overlay_start_1:
0x0: {  	(tag) =	ssettag $0x1  }
0x1: {  	s1 =	srdreg.scid;
	s0 =	stileid.u32  }
0x2: {  	s29 =	sand.u32 $0x1, s1;
	s26 =	sshll.u32 s0, $0x1  }
0x3: {  	s11 =	sor.u32 s29, s26  }
0x4: {  	s26 =	smul.u32 $0x3400, s11  }
0x5: {  	s12 =	rddreg [dreg:$0x0];
	s2 =	simm.s32 $0x0;
	s4 =	simm.s32 $0x5  }
0x6: {  	[smem:$0x7FF] =	sst s2;
	s25 =	sadd.s32 $0x2200, s12;
	s3 =	sshrl.u32 s26, $0x3  }
0x7: {  	s1 =	rddreg [dreg:$0x1];
	_ =	strace $0x80000047;
	s3 =	sadd.s32 s25, s3  }
0x8: {  	[tilespmem:s2], [sflag:$0x5] =	stream.linear.gather [hbm4b:s3+s2], $0x680, $0x38;
	[tilespmem:$0xDD00] =	vst v63  }
0x9: {  	s6 =	simm.s32 $0x680;
	_ =	swait.ge [sflag:s4], $0x680  }
0xa: {  	s7 =	simm.s32 $0xD00;
	s15 =	sadd.s32 $0x680, s26;
	[sflag:s4] =	ssyncset.done $0x0  }
0xb: {  	s5 =	sadd.s32 $0x27AE600, s12;
	s8 =	sshrl.u32 s15, $0x3;
	[sflag:s4] =	ssyncadd.s32 $0xFFFFF980  }
0xc: {  	[tilespmem:s7], [sflag:$0x1] =	stream.indirect.gather [hbm4b:s5+s6], $0x10, s2, s6, $0xb8;
	[tilespmem:$0xDD00] =	vst v63  }
0xd: {  	s8 =	sadd.s32 s25, s8  }
0xe: {  	[tilespmem:s6], [sflag:$0x5] =	stream.linear.gather [hbm4b:s8+s2], $0x680, $0x38;
	[tilespmem:$0xDD00] =	vst v63  }
0xf: {  	_ =	swait.ge [sflag:s4], $0x680  }
0x10: {  	[sflag:s4] =	ssyncset.done $0x0  }
0x11: {  	s9 =	simm.s32 $0x7500;
	s10 =	simm.s32 $0x1;
	[sflag:s4] =	ssyncadd.s32 $0xFFFFF980  }
0x12: {  	[tilespmem:s9], [sflag:$0x2] =	stream.indirect.gather [hbm4b:s5+s6], $0x10, s6, s6, $0xb8;
	[tilespmem:$0xDD00] =	vst v63  }
0x13: {  	s11 =	smul.u32 $0x6800, s11;
	_ =	swait.ge [sflag:s10], $0x6800  }
0x14: {  	s28 =	sadd.s32 $0xF200, s12;
	[sflag:s10] =	ssyncset.done $0x0  }
0x15: {  	s12 =	simm.s32 $0x3;
	s11 =	sadd.s32 s28, s11;
	[sflag:s10] =	ssyncadd.s32 $0xFFFF9800  }
0x16: {  	[hbm4b:s11+s2] =	stream.linear.scatter [tilespmem:s7], [sflag:$0x3], $0x6800, $0x38;
	[tilespmem:$0xDD00] =	vst v63  }
0x17: {  	s18 =	sadd.s32 $0xD00, s26;
	_ =	swait.ge [sflag:s12], $0x6800  }
0x18: {  	s13 =	sshrl.u32 s18, $0x3;
	[sflag:s12] =	ssyncset.done $0x0  }
0x19: {  	s13 =	sadd.s32 s25, s13;
	[sflag:s12] =	ssyncadd.s32 $0xFFFF9800  }
0x1a: {  	[tilespmem:s2], [sflag:$0x5] =	stream.linear.gather [hbm4b:s13+s2], $0x680, $0x38;
	[tilespmem:$0xDD00] =	vst v63  }
0x1b: {  	_ =	swait.ge [sflag:s4], $0x680  }
0x1c: {  	[sflag:s4] =	ssyncset.done $0x0  }
0x1d: {  	s14 =	simm.s32 $0x2;
	[sflag:s4] =	ssyncadd.s32 $0xFFFFF980  }
0x1e: {  	[tilespmem:s7], [sflag:$0x1] =	stream.indirect.gather [hbm4b:s5+s6], $0x10, s2, s6, $0xb8;
	[tilespmem:$0xDD00] =	vst v63  }
0x1f: {  	_ =	swait.ge [sflag:s14], $0x6800  }
0x20: {  	s15 =	sshll.u32 s15, $0x1;
	[sflag:s14] =	ssyncset.done $0x0  }
0x21: {  	s16 =	sadd.s32 s28, s15;
	s15 =	simm.s32 $0x4;
	[sflag:s14] =	ssyncadd.s32 $0xFFFF9800  }
0x22: {  	[hbm4b:s16+s2] =	stream.linear.scatter [tilespmem:s9], [sflag:$0x4], $0x6800, $0x38;
	[tilespmem:$0xDD00] =	vst v63  }
0x23: {  	s20 =	sadd.s32 $0x1380, s26;
	_ =	swait.ge [sflag:s15], $0x6800  }
0x24: {  	s17 =	sshrl.u32 s20, $0x3;
	[sflag:s15] =	ssyncset.done $0x0  }
0x25: {  	s17 =	sadd.s32 s25, s17;
	[sflag:s15] =	ssyncadd.s32 $0xFFFF9800  }
0x26: {  	[tilespmem:s6], [sflag:$0x5] =	stream.linear.gather [hbm4b:s17+s2], $0x680, $0x38;
	[tilespmem:$0xDD00] =	vst v63  }
0x27: {  	_ =	swait.ge [sflag:s4], $0x680  }
0x28: {  	[sflag:s4] =	ssyncset.done $0x0  }
0x29: {  	[sflag:s4] =	ssyncadd.s32 $0xFFFFF980  }
0x2a: {  	[tilespmem:s9], [sflag:$0x2] =	stream.indirect.gather [hbm4b:s5+s6], $0x10, s6, s6, $0xb8;
	[tilespmem:$0xDD00] =	vst v63  }
0x2b: {  	_ =	swait.ge [sflag:s10], $0x6800  }
0x2c: {  	s18 =	sshll.u32 s18, $0x1;
	[sflag:s10] =	ssyncset.done $0x0  }
0x2d: {  	s18 =	sadd.s32 s28, s18;
	[sflag:s10] =	ssyncadd.s32 $0xFFFF9800  }
0x2e: {  	[hbm4b:s18+s2] =	stream.linear.scatter [tilespmem:s7], [sflag:$0x3], $0x6800, $0x38;
	[tilespmem:$0xDD00] =	vst v63  }
0x2f: {  	s22 =	sadd.s32 $0x1A00, s26;
	_ =	swait.ge [sflag:s12], $0x6800  }
0x30: {  	s19 =	sshrl.u32 s22, $0x3;
	[sflag:s12] =	ssyncset.done $0x0  }
0x31: {  	s19 =	sadd.s32 s25, s19;
	[sflag:s12] =	ssyncadd.s32 $0xFFFF9800  }
0x32: {  	[tilespmem:s2], [sflag:$0x5] =	stream.linear.gather [hbm4b:s19+s2], $0x680, $0x38;
	[tilespmem:$0xDD00] =	vst v63  }
0x33: {  	_ =	swait.ge [sflag:s4], $0x680  }
0x34: {  	[sflag:s4] =	ssyncset.done $0x0  }
0x35: {  	[sflag:s4] =	ssyncadd.s32 $0xFFFFF980  }
0x36: {  	[tilespmem:s7], [sflag:$0x1] =	stream.indirect.gather [hbm4b:s5+s6], $0x10, s2, s6, $0xb8;
	[tilespmem:$0xDD00] =	vst v63  }
0x37: {  	_ =	swait.ge [sflag:s14], $0x6800  }
0x38: {  	s20 =	sshll.u32 s20, $0x1;
	[sflag:s14] =	ssyncset.done $0x0  }
0x39: {  	s20 =	sadd.s32 s28, s20;
	[sflag:s14] =	ssyncadd.s32 $0xFFFF9800  }
0x3a: {  	[hbm4b:s20+s2] =	stream.linear.scatter [tilespmem:s9], [sflag:$0x4], $0x6800, $0x38;
	[tilespmem:$0xDD00] =	vst v63  }
0x3b: {  	s24 =	sadd.s32 $0x2080, s26;
	_ =	swait.ge [sflag:s15], $0x6800  }
0x3c: {  	s21 =	sshrl.u32 s24, $0x3;
	[sflag:s15] =	ssyncset.done $0x0  }
0x3d: {  	s21 =	sadd.s32 s25, s21;
	[sflag:s15] =	ssyncadd.s32 $0xFFFF9800  }
0x3e: {  	[tilespmem:s6], [sflag:$0x5] =	stream.linear.gather [hbm4b:s21+s2], $0x680, $0x38;
	[tilespmem:$0xDD00] =	vst v63  }
0x3f: {  	_ =	swait.ge [sflag:s4], $0x680  }
0x40: {  	[sflag:s4] =	ssyncset.done $0x0  }
0x41: {  	[sflag:s4] =	ssyncadd.s32 $0xFFFFF980  }
0x42: {  	[tilespmem:s9], [sflag:$0x2] =	stream.indirect.gather [hbm4b:s5+s6], $0x10, s6, s6, $0xb8;
	[tilespmem:$0xDD00] =	vst v63  }
0x43: {  	_ =	swait.ge [sflag:s10], $0x6800  }
0x44: {  	s22 =	sshll.u32 s22, $0x1;
	[sflag:s10] =	ssyncset.done $0x0  }
0x45: {  	s22 =	sadd.s32 s28, s22;
	[sflag:s10] =	ssyncadd.s32 $0xFFFF9800  }
0x46: {  	[hbm4b:s22+s2] =	stream.linear.scatter [tilespmem:s7], [sflag:$0x3], $0x6800, $0x38;
	[tilespmem:$0xDD00] =	vst v63  }
0x47: {  	s30 =	sadd.s32 $0x2700, s26;
	_ =	swait.ge [sflag:s12], $0x6800  }
0x48: {  	s23 =	sshrl.u32 s30, $0x3;
	[sflag:s12] =	ssyncset.done $0x0  }
0x49: {  	s23 =	sadd.s32 s25, s23;
	[sflag:s12] =	ssyncadd.s32 $0xFFFF9800  }
0x4a: {  	[tilespmem:s2], [sflag:$0x5] =	stream.linear.gather [hbm4b:s23+s2], $0x680, $0x38;
	[tilespmem:$0xDD00] =	vst v63  }
0x4b: {  	_ =	swait.ge [sflag:s4], $0x680  }
0x4c: {  	[sflag:s4] =	ssyncset.done $0x0  }
0x4d: {  	[sflag:s4] =	ssyncadd.s32 $0xFFFFF980  }
0x4e: {  	[tilespmem:s7], [sflag:$0x1] =	stream.indirect.gather [hbm4b:s5+s6], $0x10, s2, s6, $0xb8;
	[tilespmem:$0xDD00] =	vst v63  }
0x4f: {  	_ =	swait.ge [sflag:s14], $0x6800  }
0x50: {  	s24 =	sshll.u32 s24, $0x1;
	[sflag:s14] =	ssyncset.done $0x0  }
0x51: {  	s24 =	sadd.s32 s28, s24;
	[sflag:s14] =	ssyncadd.s32 $0xFFFF9800  }
0x52: {  	[hbm4b:s24+s2] =	stream.linear.scatter [tilespmem:s9], [sflag:$0x4], $0x6800, $0x38;
	[tilespmem:$0xDD00] =	vst v63  }
0x53: {  	s31 =	sadd.s32 $0x2D80, s26;
	_ =	swait.ge [sflag:s15], $0x6800  }
0x54: {  	s26 =	sshrl.u32 s31, $0x3;
	[sflag:s15] =	ssyncset.done $0x0  }
0x55: {  	s25 =	sadd.s32 s25, s26;
	[sflag:s15] =	ssyncadd.s32 $0xFFFF9800  }
0x56: {  	[tilespmem:s6], [sflag:$0x5] =	stream.linear.gather [hbm4b:s25+s2], $0x680, $0x38;
	[tilespmem:$0xDD00] =	vst v63  }
0x57: {  	_ =	swait.ge [sflag:s4], $0x680  }
0x58: {  	[sflag:s4] =	ssyncset.done $0x0  }
0x59: {  	[sflag:s4] =	ssyncadd.s32 $0xFFFFF980  }
0x5a: {  	[tilespmem:s9], [sflag:$0x2] =	stream.indirect.gather [hbm4b:s5+s6], $0x10, s6, s6, $0xb8;
	[tilespmem:$0xDD00] =	vst v63  }
0x5b: {  	s29 =	ssub.s32 $0x2, s29;
	s30 =	sshll.u32 s30, $0x1;
	_ =	swait.ge [sflag:s10], $0x6800  }
0x5c: {  	s31 =	sshll.u32 s31, $0x1;
	s26 =	sadd.s32 s28, s30;
	[sflag:s10] =	ssyncset.done $0x0  }
0x5d: {  	s28 =	sadd.s32 s28, s31;
	s31 =	sshrl.u32 s29, $0x1;
	[sflag:s10] =	ssyncadd.s32 $0xFFFF9800  }
0x5e: {  	[hbm4b:s26+s2] =	stream.linear.scatter [tilespmem:s7], [sflag:$0x3], $0x6800, $0x38;
	[tilespmem:$0xDD00] =	vst v63  }
0x5f: {  	s29 =	ssub.s32 s29, s31;
	_ =	swait.ge [sflag:s14], $0x6800  }
0x60: {  	s29 =	smax.u32 s29, $0x1;
	[sflag:s14] =	ssyncset.done $0x0  }
0x61: {  	p0 =	sne.s32 s29, $0x1;
	[sflag:s14] =	ssyncadd.s32 $0xFFFF9800  }
0x62: {  	[hbm4b:s28+s2] =	stream.linear.scatter [tilespmem:s9], [sflag:$0x4], $0x6800, $0x38;
	[tilespmem:$0xDD00] =	vst v63  }
.Ltmp0:
0x63: {  	_ =	swait.ge [sflag:s12], $0x6800;
	(pc) =	sbr.rel @!p0 .LBB2_2-.Ltmp0, $4  }
0x64: {  	[sflag:s12] =	ssyncset.done $0x0  }
0x65: {  	[sflag:s12] =	ssyncadd.s32 $0xFFFF9800  }
0x66: {  	_ =	swait.ge [sflag:s15], $0x6800  }
0x67: {  	s29 =	sadd.s32 $0xFFFFFFFF, s29;
	[sflag:s15] =	ssyncset.done $0x0  }
.LBB2_1:
0x68: {  	p0 =	sne.s32 s29, $0x1;
	s29 =	sadd.s32 $0xFFFFFFFF, s29;
	[sflag:s15] =	ssyncadd.s32 $0xFFFF9800  }
0x69: {  	[tilespmem:s2], [sflag:$0x5] =	stream.linear.gather [hbm4b:s3+s2], $0x680, $0x38;
	[tilespmem:$0xDD00] =	vst v63  }
0x6a: {  	_ =	swait.ge [sflag:s4], $0x680  }
0x6b: {  	[sflag:s4] =	ssyncset.done $0x0  }
0x6c: {  	[sflag:s4] =	ssyncadd.s32 $0xFFFFF980  }
0x6d: {  	[tilespmem:s7], [sflag:$0x1] =	stream.indirect.gather [hbm4b:s5+s6], $0x10, s2, s6, $0xb8;
	[tilespmem:$0xDD00] =	vst v63  }
0x6e: {  	_ = 	snop  }
0x6f: {  	[tilespmem:s6], [sflag:$0x5] =	stream.linear.gather [hbm4b:s8+s2], $0x680, $0x38;
	[tilespmem:$0xDD00] =	vst v63  }
0x70: {  	_ =	swait.ge [sflag:s4], $0x680  }
0x71: {  	[sflag:s4] =	ssyncset.done $0x0  }
0x72: {  	[sflag:s4] =	ssyncadd.s32 $0xFFFFF980  }
0x73: {  	[tilespmem:s9], [sflag:$0x2] =	stream.indirect.gather [hbm4b:s5+s6], $0x10, s6, s6, $0xb8;
	[tilespmem:$0xDD00] =	vst v63  }
0x74: {  	_ =	swait.ge [sflag:s10], $0x6800  }
0x75: {  	[sflag:s10] =	ssyncset.done $0x0  }
0x76: {  	[sflag:s10] =	ssyncadd.s32 $0xFFFF9800  }
0x77: {  	[hbm4b:s11+s2] =	stream.linear.scatter [tilespmem:s7], [sflag:$0x3], $0x6800, $0x38;
	[tilespmem:$0xDD00] =	vst v63  }
0x78: {  	_ =	swait.ge [sflag:s12], $0x6800  }
0x79: {  	[sflag:s12] =	ssyncset.done $0x0  }
0x7a: {  	[sflag:s12] =	ssyncadd.s32 $0xFFFF9800  }
0x7b: {  	[tilespmem:s2], [sflag:$0x5] =	stream.linear.gather [hbm4b:s13+s2], $0x680, $0x38;
	[tilespmem:$0xDD00] =	vst v63  }
0x7c: {  	_ =	swait.ge [sflag:s4], $0x680  }
0x7d: {  	[sflag:s4] =	ssyncset.done $0x0  }
0x7e: {  	[sflag:s4] =	ssyncadd.s32 $0xFFFFF980  }
0x7f: {  	[tilespmem:s7], [sflag:$0x1] =	stream.indirect.gather [hbm4b:s5+s6], $0x10, s2, s6, $0xb8;
	[tilespmem:$0xDD00] =	vst v63  }
0x80: {  	_ =	swait.ge [sflag:s14], $0x6800  }
0x81: {  	[sflag:s14] =	ssyncset.done $0x0  }
0x82: {  	[sflag:s14] =	ssyncadd.s32 $0xFFFF9800  }
0x83: {  	[hbm4b:s16+s2] =	stream.linear.scatter [tilespmem:s9], [sflag:$0x4], $0x6800, $0x38;
	[tilespmem:$0xDD00] =	vst v63  }
0x84: {  	_ =	swait.ge [sflag:s15], $0x6800  }
0x85: {  	[sflag:s15] =	ssyncset.done $0x0  }
0x86: {  	[sflag:s15] =	ssyncadd.s32 $0xFFFF9800  }
0x87: {  	[tilespmem:s6], [sflag:$0x5] =	stream.linear.gather [hbm4b:s17+s2], $0x680, $0x38;
	[tilespmem:$0xDD00] =	vst v63  }
0x88: {  	_ =	swait.ge [sflag:s4], $0x680  }
0x89: {  	[sflag:s4] =	ssyncset.done $0x0  }
0x8a: {  	[sflag:s4] =	ssyncadd.s32 $0xFFFFF980  }
0x8b: {  	[tilespmem:s9], [sflag:$0x2] =	stream.indirect.gather [hbm4b:s5+s6], $0x10, s6, s6, $0xb8;
	[tilespmem:$0xDD00] =	vst v63  }
0x8c: {  	_ =	swait.ge [sflag:s10], $0x6800  }
0x8d: {  	[sflag:s10] =	ssyncset.done $0x0  }
0x8e: {  	[sflag:s10] =	ssyncadd.s32 $0xFFFF9800  }
0x8f: {  	[hbm4b:s18+s2] =	stream.linear.scatter [tilespmem:s7], [sflag:$0x3], $0x6800, $0x38;
	[tilespmem:$0xDD00] =	vst v63  }
0x90: {  	_ =	swait.ge [sflag:s12], $0x6800  }
0x91: {  	[sflag:s12] =	ssyncset.done $0x0  }
0x92: {  	[sflag:s12] =	ssyncadd.s32 $0xFFFF9800  }
0x93: {  	[tilespmem:s2], [sflag:$0x5] =	stream.linear.gather [hbm4b:s19+s2], $0x680, $0x38;
	[tilespmem:$0xDD00] =	vst v63  }
0x94: {  	_ =	swait.ge [sflag:s4], $0x680  }
0x95: {  	[sflag:s4] =	ssyncset.done $0x0  }
0x96: {  	[sflag:s4] =	ssyncadd.s32 $0xFFFFF980  }
0x97: {  	[tilespmem:s7], [sflag:$0x1] =	stream.indirect.gather [hbm4b:s5+s6], $0x10, s2, s6, $0xb8;
	[tilespmem:$0xDD00] =	vst v63  }
0x98: {  	_ =	swait.ge [sflag:s14], $0x6800  }
0x99: {  	[sflag:s14] =	ssyncset.done $0x0  }
0x9a: {  	[sflag:s14] =	ssyncadd.s32 $0xFFFF9800  }
0x9b: {  	[hbm4b:s20+s2] =	stream.linear.scatter [tilespmem:s9], [sflag:$0x4], $0x6800, $0x38;
	[tilespmem:$0xDD00] =	vst v63  }
0x9c: {  	_ =	swait.ge [sflag:s15], $0x6800  }
0x9d: {  	[sflag:s15] =	ssyncset.done $0x0  }
0x9e: {  	[sflag:s15] =	ssyncadd.s32 $0xFFFF9800  }
0x9f: {  	[tilespmem:s6], [sflag:$0x5] =	stream.linear.gather [hbm4b:s21+s2], $0x680, $0x38;
	[tilespmem:$0xDD00] =	vst v63  }
0xa0: {  	_ =	swait.ge [sflag:s4], $0x680  }
0xa1: {  	[sflag:s4] =	ssyncset.done $0x0  }
0xa2: {  	[sflag:s4] =	ssyncadd.s32 $0xFFFFF980  }
0xa3: {  	[tilespmem:s9], [sflag:$0x2] =	stream.indirect.gather [hbm4b:s5+s6], $0x10, s6, s6, $0xb8;
	[tilespmem:$0xDD00] =	vst v63  }
0xa4: {  	_ =	swait.ge [sflag:s10], $0x6800  }
0xa5: {  	[sflag:s10] =	ssyncset.done $0x0  }
0xa6: {  	[sflag:s10] =	ssyncadd.s32 $0xFFFF9800  }
0xa7: {  	[hbm4b:s22+s2] =	stream.linear.scatter [tilespmem:s7], [sflag:$0x3], $0x6800, $0x38;
	[tilespmem:$0xDD00] =	vst v63  }
0xa8: {  	_ =	swait.ge [sflag:s12], $0x6800  }
0xa9: {  	[sflag:s12] =	ssyncset.done $0x0  }
0xaa: {  	[sflag:s12] =	ssyncadd.s32 $0xFFFF9800  }
0xab: {  	[tilespmem:s2], [sflag:$0x5] =	stream.linear.gather [hbm4b:s23+s2], $0x680, $0x38;
	[tilespmem:$0xDD00] =	vst v63  }
0xac: {  	_ =	swait.ge [sflag:s4], $0x680  }
0xad: {  	[sflag:s4] =	ssyncset.done $0x0  }
0xae: {  	[sflag:s4] =	ssyncadd.s32 $0xFFFFF980  }
0xaf: {  	[tilespmem:s7], [sflag:$0x1] =	stream.indirect.gather [hbm4b:s5+s6], $0x10, s2, s6, $0xb8;
	[tilespmem:$0xDD00] =	vst v63  }
0xb0: {  	_ =	swait.ge [sflag:s14], $0x6800  }
0xb1: {  	[sflag:s14] =	ssyncset.done $0x0  }
0xb2: {  	[sflag:s14] =	ssyncadd.s32 $0xFFFF9800  }
0xb3: {  	[hbm4b:s24+s2] =	stream.linear.scatter [tilespmem:s9], [sflag:$0x4], $0x6800, $0x38;
	[tilespmem:$0xDD00] =	vst v63  }
0xb4: {  	_ =	swait.ge [sflag:s15], $0x6800  }
0xb5: {  	[sflag:s15] =	ssyncset.done $0x0  }
0xb6: {  	[sflag:s15] =	ssyncadd.s32 $0xFFFF9800  }
0xb7: {  	[tilespmem:s6], [sflag:$0x5] =	stream.linear.gather [hbm4b:s25+s2], $0x680, $0x38;
	[tilespmem:$0xDD00] =	vst v63  }
0xb8: {  	_ =	swait.ge [sflag:s4], $0x680  }
0xb9: {  	[sflag:s4] =	ssyncset.done $0x0  }
0xba: {  	[sflag:s4] =	ssyncadd.s32 $0xFFFFF980  }
0xbb: {  	[tilespmem:s9], [sflag:$0x2] =	stream.indirect.gather [hbm4b:s5+s6], $0x10, s6, s6, $0xb8;
	[tilespmem:$0xDD00] =	vst v63  }
0xbc: {  	_ =	swait.ge [sflag:s10], $0x6800  }
0xbd: {  	[sflag:s10] =	ssyncset.done $0x0  }
0xbe: {  	[sflag:s10] =	ssyncadd.s32 $0xFFFF9800  }
0xbf: {  	[hbm4b:s26+s2] =	stream.linear.scatter [tilespmem:s7], [sflag:$0x3], $0x6800, $0x38;
	[tilespmem:$0xDD00] =	vst v63  }
0xc0: {  	_ =	swait.ge [sflag:s14], $0x6800  }
0xc1: {  	[sflag:s14] =	ssyncset.done $0x0  }
0xc2: {  	[sflag:s14] =	ssyncadd.s32 $0xFFFF9800  }
0xc3: {  	[hbm4b:s28+s2] =	stream.linear.scatter [tilespmem:s9], [sflag:$0x4], $0x6800, $0x38;
	[tilespmem:$0xDD00] =	vst v63  }
.Ltmp1:
0xc4: {  	_ =	swait.ge [sflag:s12], $0x6800;
	(pc) =	sbr.rel @p0 .LBB2_1-.Ltmp1, $4  }
0xc5: {  	[sflag:s12] =	ssyncset.done $0x0  }
0xc6: {  	[sflag:s12] =	ssyncadd.s32 $0xFFFF9800  }
0xc7: {  	_ =	swait.ge [sflag:s15], $0x6800  }
0xc8: {  	[sflag:s15] =	ssyncset.done $0x0  }
.LBB2_2:
0xc9: {  	[sflag:s15] =	ssyncadd.s32 $0xFFFF9800  }
0xca: {  	_ =	sfence.sel $0x180000  }
0xcb: {  	[bflag:$0x0] =	sbarrier.arrive $0xFFFF  }
0xcc: {  	p0 =	sne.s32 s0, $0x0;
	_ =	strace $0x90000047  }
0xcd: {  	s0 =	sadd.s32 @!p0 $0x100000, s1;
	[bflag:$0x2] =	sbarrier.arrive $0xFFFF  }
0xce: {  	[sflag:s0] =	ssyncadd.tile.s32 @!p0 $0x1;
	_ =	shalt  }
.Lfunc_end2:
_tile_overlayer_lowered:
.L_overlay_start_2:
0xcf: {  	(tag) =	ssettag $0x2  }
0xd0: {  	s0 =	rddreg [dreg:$0x0];
	s2 =	stileid.u32  }
0xd1: {  	s1 =	rddreg [dreg:$0x1];
	p0 =	sne.s32 s2, $0x0  }
0xd2: {  	s3 =	rddreg [dreg:$0x2];
	[bflag:$0x3] =	sbarrier.arrive $0xFFFF;
	s2 =	simm.s32 @!p0 $0x1C05  }
0xd3: {  	[timem:s3], [sflag:s2] =	dma.local @!p0 [hbm:s0], s1  }
0xd4: {  	s0 =	simm.s32 @!p0 $0x5  }
0xd5: {  	_ =	swait.ge @!p0 [sflag:s0], s1  }
0xd6: {  	s1 =	ssub.s32 @!p0 $0x0, s1;
	[sflag:s0] =	ssyncset.done @!p0 $0x0  }
0xd7: {  	[sflag:s0] =	ssyncadd.s32 @!p0 s1  }
0xd8: {  	[bflag:$0x3] =	sbarrier.arrive $0xFFFF  }
0xd9: {  	_ =	shalt  }

</sc_bundles>
